<compile_context>
chip_gen: v7x
topology: tpu7x:2x2x1
jax: 0.10.2.dev20260603
libtpu: 0.0.44.dev20260713+nightly
codegen_flags: <defaults>
</compile_context>

<pallas_src>
import functools

import jax
import jax.numpy as jnp
from jax import lax
from jax.experimental import pallas as pl
from jax.experimental.pallas import tpu as pltpu
from jax.experimental.pallas import tpu_sc as plsc

_N = 10000
_E = 320000
_DIN = 128
_DOUT = 64
_B = 64

_NC = 2
_NS = 16
_NW = _NC * _NS
_EPW = _E // _NW
_CK = 256
_NCH = 40
_EP = _NW * _CK * _NCH
_RPT = 632
_SEGS = ((0, 248), (248, 248), (496, 136))

_mesh = plsc.VectorSubcoreMesh(core_axis_name="c", subcore_axis_name="s")
_sc_params = pltpu.CompilerParams(use_tc_tiling_on_sc=False,
                                  needs_layout_passes=False)


@functools.partial(
    pl.kernel,
    out_type=[
        jax.ShapeDtypeStruct((_NC, _N), jnp.float32),
        jax.ShapeDtypeStruct((_NC, _N), jnp.float32),
    ],
    mesh=_mesh,
    scratch_types=[
        pltpu.VMEM((_EPW,), jnp.int32),
        pltpu.VMEM((_EPW,), jnp.int32),
        pltpu.VMEM((_EPW,), jnp.float32),
        pltpu.VMEM_SHARED((_N,), jnp.float32),
        pltpu.VMEM_SHARED((_N,), jnp.float32),
        pltpu.SemaphoreType.DMA,
        pltpu.SemaphoreType.DMA,
    ],
)
def _deg_kernel(src_hbm, dst_hbm, dego_hbm, degi_hbm,
                srcv, dstv, onesv, dego_s, degi_s, sem0, sem1):
    cid = lax.axis_index("c")
    sid = lax.axis_index("s")
    base = (cid * _NS + sid) * _EPW
    pltpu.async_copy(src_hbm.at[pl.ds(base, _EPW)], srcv, sem0)
    pltpu.async_copy(dst_hbm.at[pl.ds(base, _EPW)], dstv, sem1)

    @plsc.parallel_loop(0, _EPW // 16, unroll=8)
    def zloop(i):
        onesv[pl.ds(i * 16, 16)] = jnp.zeros((16,), jnp.float32)

    @pl.when(sid == 0)
    def _():
        pltpu.sync_copy(onesv, dego_s)
        pltpu.sync_copy(onesv, degi_s)

    @plsc.parallel_loop(0, _EPW // 16, unroll=8)
    def oloop(i):
        onesv[pl.ds(i * 16, 16)] = jnp.ones((16,), jnp.float32)

    plsc.subcore_barrier()
    pltpu.make_async_copy(src_hbm.at[pl.ds(base, _EPW)], srcv, sem0).wait()
    pltpu.make_async_copy(dst_hbm.at[pl.ds(base, _EPW)], dstv, sem1).wait()
    pltpu.async_copy(onesv, dego_s.at[srcv], sem0, add=True)
    pltpu.async_copy(onesv, degi_s.at[dstv], sem1, add=True)
    pltpu.make_async_copy(onesv, dego_s.at[srcv], sem0).wait()
    pltpu.make_async_copy(onesv, degi_s.at[dstv], sem1).wait()
    plsc.subcore_barrier()

    @pl.when(sid == 0)
    def _():
        pltpu.sync_copy(dego_s, dego_hbm.at[cid])
        pltpu.sync_copy(degi_s, degi_hbm.at[cid])


@functools.partial(
    pl.kernel,
    out_type=jax.ShapeDtypeStruct((_NC * _N, _DOUT), jnp.float32),
    mesh=_mesh,
    scratch_types=[
        pltpu.VMEM((_NCH, _CK), jnp.int32),
        pltpu.VMEM((_NCH, _CK), jnp.int32),
        pltpu.VMEM((_NCH, _CK), jnp.float32),
        pltpu.VMEM((_CK, _DOUT), jnp.float32),
        pltpu.VMEM((_CK, _DOUT), jnp.float32),
        pltpu.VMEM((_N,), jnp.float32),
        pltpu.VMEM((640,), jnp.float32),
        pltpu.VMEM((640,), jnp.float32),
        pltpu.VMEM((_CK,), jnp.float32),
        pltpu.VMEM_SHARED((_N,), jnp.float32),
        pltpu.VMEM_SHARED((_N, _DOUT), jnp.float32),
        pltpu.SemaphoreType.DMA,
        pltpu.SemaphoreType.DMA,
        pltpu.SemaphoreType.DMA,
        pltpu.SemaphoreType.DMA,
    ],
    compiler_params=_sc_params,
)
def _edge_kernel(xw_hbm, dego_hbm, src_hbm, dst_hbm, ew_hbm, agg_hbm,
                 srcb, dstb, ewb, rows0, rows1, normv, na, nb, wbuf,
                 norm_s, agg_s, semg0, semg1, sems0, sems1):
    cid = lax.axis_index("c")
    sid = lax.axis_index("s")
    r0 = (cid * _NS + sid) * _NCH
    pltpu.sync_copy(src_hbm.at[pl.ds(r0, _NCH)], srcb)
    pltpu.sync_copy(dst_hbm.at[pl.ds(r0, _NCH)], dstb)
    pltpu.sync_copy(ew_hbm.at[pl.ds(r0, _NCH)], ewb)

    @plsc.parallel_loop(0, _CK, unroll=8)
    def zloop(i):
        for c in range(_DOUT // 16):
            rows0[i, pl.ds(c * 16, 16)] = jnp.zeros((16,), jnp.float32)
    row0 = pl.multiple_of(jnp.minimum(sid * _RPT, _N - _RPT), 8)
    for o, ln in _SEGS:
        pltpu.sync_copy(rows0.at[pl.ds(0, ln)], agg_s.at[pl.ds(row0 + o, ln)])
    pltpu.async_copy(xw_hbm.at[srcb.at[0]], rows0, semg0)

    offn = pl.multiple_of(sid * 624, 16)
    pltpu.sync_copy(dego_hbm.at[0, pl.ds(offn, 640)], na)
    pltpu.sync_copy(dego_hbm.at[1, pl.ds(offn, 640)], nb)

    @plsc.parallel_loop(0, 40, unroll=4)
    def nloop(q):
        sl = pl.ds(q * 16, 16)
        x = jnp.maximum(na[sl] + nb[sl], 1.0)
        i32 = plsc.bitcast(x, jnp.int32)
        y = plsc.bitcast(
            jnp.full((16,), 0x5F3759DF, jnp.int32)
            - lax.shift_right_logical(i32, 1), jnp.float32)
        hx = 0.5 * x
        for _it in range(3):
            y = y * (1.5 - hx * y * y)
        na[sl] = y
    pltpu.sync_copy(na, norm_s.at[pl.ds(offn, 640)])
    plsc.subcore_barrier()
    pltpu.sync_copy(norm_s, normv)

    def scale(rows, j):
        jv = jnp.full((16,), j, jnp.int32)

        @plsc.parallel_loop(0, _CK // 16, unroll=4)
        def wloop(q):
            sl = pl.ds(q * 16, 16)
            sv = srcb[j, sl]
            nv = plsc.load_gather(normv, [sv])
            wbuf[sl] = ewb[j, sl] * nv

        @plsc.parallel_loop(0, _CK, unroll=8)
        def srow(i):
            wv = plsc.load_gather(wbuf, [jnp.full((16,), i, jnp.int32)])
            for c in range(_DOUT // 16):
                sl = pl.ds(c * 16, 16)
                rows[i, sl] = rows[i, sl] * wv

    def body(g, _):
        c0 = 2 * g
        c1 = c0 + 1
        @pl.when(g > 0)
        def _():
            pltpu.make_async_copy(rows1, agg_s.at[dstb.at[c1]], sems1).wait()
        pltpu.async_copy(xw_hbm.at[srcb.at[c1]], rows1, semg1)
        pltpu.make_async_copy(xw_hbm.at[srcb.at[c0]], rows0, semg0).wait()
        scale(rows0, c0)
        pltpu.async_copy(rows0, agg_s.at[dstb.at[c0]], sems0, add=True)
        pltpu.make_async_copy(xw_hbm.at[srcb.at[c1]], rows1, semg1).wait()
        scale(rows1, c1)
        pltpu.async_copy(rows1, agg_s.at[dstb.at[c1]], sems1, add=True)
        pltpu.make_async_copy(rows0, agg_s.at[dstb.at[c0]], sems0).wait()
        @pl.when(g < _NCH // 2 - 1)
        def _():
            pltpu.async_copy(xw_hbm.at[srcb.at[c0 + 2]], rows0, semg0)
        return 0
    lax.fori_loop(0, _NCH // 2, body, 0)
    pltpu.make_async_copy(rows1, agg_s.at[dstb.at[_NCH - 1]], sems1).wait()

    plsc.subcore_barrier()
    for o, ln in _SEGS:
        pltpu.sync_copy(agg_s.at[pl.ds(row0 + o, ln)],
                        agg_hbm.at[pl.ds(cid * _N + row0 + o, ln)])


def _mm_body(x_ref, w_ref, out_ref):
    out_ref[...] = jnp.dot(x_ref[...], w_ref[...],
                           preferred_element_type=jnp.float32)


_mm_call = pl.pallas_call(
    _mm_body,
    out_shape=jax.ShapeDtypeStruct((_N, _DOUT), jnp.float32),
)


def _epi_body(x_ref, w_ref, agg_ref, degi_ref, n2g_ref, b_ref, a_ref,
              h_out, pool_out, anc_out):
    a = a_ref[0, 0]
    bias = b_ref[...]
    agg = agg_ref[pl.ds(0, _N), :] + agg_ref[pl.ds(_N, _N), :]
    degi = degi_ref[0] + degi_ref[1]
    ndst = lax.rsqrt(jnp.maximum(degi, 1.0))
    h = agg * ndst + bias
    hp = jnp.maximum(h, 0.0) + a * jnp.minimum(h, 0.0)
    hn = jnp.sqrt(jnp.sum(hp * hp, axis=1, keepdims=True))
    h_out[...] = hp / jnp.maximum(hn, 1e-12)

    n2g = n2g_ref[...]
    gids = lax.broadcasted_iota(jnp.int32, (_N, _B), 1)
    oh = (n2g == gids).astype(jnp.float32)
    ones_col = jnp.ones((_N, 1), jnp.float32)
    cdims = (((0,), (0,)), ((), ()))
    pool_sum = lax.dot_general(oh, hp, cdims, preferred_element_type=jnp.float32)
    cnt = lax.dot_general(oh, ones_col, cdims, preferred_element_type=jnp.float32)
    pool = pool_sum / jnp.maximum(cnt, 1.0)
    pn = jnp.sqrt(jnp.sum(pool * pool, axis=1, keepdims=True))
    pool_out[...] = pool / jnp.maximum(pn, 1e-12)

    less = (n2g < gids).astype(jnp.float32)
    cntl = lax.dot_general(ones_col, less, cdims, preferred_element_type=jnp.float32)
    aidx = jnp.minimum(cntl, float(_N - 1)).astype(jnp.int32)
    nio = lax.broadcasted_iota(jnp.int32, (_N, _B), 0)
    aoh = (nio == aidx).astype(jnp.float32)
    ax = lax.dot_general(aoh, x_ref[...], cdims, preferred_element_type=jnp.float32)
    ao = jnp.dot(ax, w_ref[...], preferred_element_type=jnp.float32) + bias
    aop = jnp.maximum(ao, 0.0) + a * jnp.minimum(ao, 0.0)
    an = jnp.sqrt(jnp.sum(aop * aop, axis=1, keepdims=True))
    anc_out[...] = aop / jnp.maximum(an, 1e-12)


_epi_call = pl.pallas_call(
    _epi_body,
    out_shape=[
        jax.ShapeDtypeStruct((_N, _DOUT), jnp.float32),
        jax.ShapeDtypeStruct((_B, _DOUT), jnp.float32),
        jax.ShapeDtypeStruct((_B, _DOUT), jnp.float32),
    ],
)


def kernel(x, edge_index, edge_weight, node2graph, W, b, prelu_a):
    src = edge_index[0]
    dst = edge_index[1]
    xw = _mm_call(x, W)
    dego, degi = _deg_kernel(src, dst)
    pad = _EP - _E
    spread = jnp.arange(pad, dtype=jnp.int32) % _N
    srcp = jnp.concatenate([src, spread])
    dstp = jnp.concatenate([dst, spread])
    ewp = jnp.concatenate([edge_weight, jnp.zeros((pad,), jnp.float32)])
    agg2 = _edge_kernel(xw, dego,
                        srcp.reshape(_EP // _CK, _CK),
                        dstp.reshape(_EP // _CK, _CK),
                        ewp.reshape(_EP // _CK, _CK))
    h, pool, anc = _epi_call(x, W, agg2, degi.reshape(_NC, _N, 1),
                             node2graph.reshape(_N, 1),
                             b.reshape(1, _DOUT),
                             jnp.asarray(prelu_a, jnp.float32).reshape(1, 1))
    return h, pool, anc

# --- scband reference (transcript-rebuilt; emitter-appended) ---
"""Pipeline reference for scband-one-layer-gcn-17824114279163 (READ-ONLY COPY).

The authoritative reference and input builder live on the scoring server;
editing this copy changes nothing except your own understanding.
"""

import jax, jax.numpy as jnp
import numpy as np

N = 10000
E = 320000
DIN = 128
DOUT = 64
B = 64


def _prelu(x, a):
    return jnp.maximum(x, 0.0) + a * jnp.minimum(x, 0.0)


def _l2norm(x):
    n = jnp.sqrt(jnp.sum(x * x, axis=1, keepdims=True))
    return x / jnp.maximum(n, 1e-12)


def setup_inputs(seed: int = 0) -> dict:
    key = jax.random.key(seed)
    ks = jax.random.split(key, 8)
    x = jax.random.normal(ks[0], (N, DIN), dtype=jnp.float32)
    edge_index = jax.random.randint(ks[1], (2, E), 0, N, dtype=jnp.int32)
    edge_weight = jax.random.uniform(ks[2], (E,), dtype=jnp.float32)
    node2graph = jnp.sort(jax.random.randint(ks[3], (N,), 0, B, dtype=jnp.int32))
    # GraphConv weight [in_feats, out_feats] (glorot-ish) and bias
    W = jax.random.normal(ks[4], (DIN, DOUT), dtype=jnp.float32) * (1.0 / np.sqrt(DIN))
    b = jnp.zeros((DOUT,), dtype=jnp.float32)
    prelu_a = jnp.array(0.25, dtype=jnp.float32)
    return {"x": x, "edge_index": edge_index, "edge_weight": edge_weight,
            "node2graph": node2graph, "W": W, "b": b, "prelu_a": prelu_a}


def reference(x, edge_index, edge_weight, node2graph, W, b, prelu_a):
    src = edge_index[0]
    dst = edge_index[1]
    # DGL GraphConv norm='both': 1/sqrt(out_deg(src)) pre, 1/sqrt(in_deg(dst)) post,
    # degrees clamped to min 1 (allow_zero_in_degree set in the module)
    deg_out = jnp.bincount(src, length=N).astype(jnp.float32)
    deg_in = jnp.bincount(dst, length=N).astype(jnp.float32)
    norm_src = jnp.maximum(deg_out, 1.0) ** -0.5
    norm_dst = jnp.maximum(deg_in, 1.0) ** -0.5
    feat = x * norm_src[:, None]
    # in_feats > out_feats -> DGL multiplies by W before aggregation
    feat = feat @ W
    msg = jnp.take(feat, src, axis=0) * edge_weight[:, None]
    agg = jax.ops.segment_sum(msg, dst, num_segments=N)
    h = agg * norm_dst[:, None] + b
    h = _prelu(h, prelu_a)
    # per-subgraph mean pooling over the batched graph
    pool_sum = jax.ops.segment_sum(h, node2graph, num_segments=B)
    counts = jax.ops.segment_sum(jnp.ones((N, 1), dtype=jnp.float32), node2graph, num_segments=B)
    subgraph_pool_emb = pool_sum / jnp.maximum(counts, 1.0)
    # anchor node = first node of each subgraph in the batched graph
    anchor_idx = jnp.clip(jnp.searchsorted(node2graph, jnp.arange(B, dtype=node2graph.dtype)), 0, N - 1)
    anchor_out = _prelu(jnp.take(x, anchor_idx, axis=0) @ W + b, prelu_a)
    return (_l2norm(h), _l2norm(subgraph_pool_emb), _l2norm(anchor_out))

if __name__ == "__main__":
    import jax
    _d = setup_inputs()
    print(jax.jit(kernel)(*tuple(_d.values())))

</pallas_src>

<mosaic_0001>
#map = affine_map<(d0, d1) -> (0)>
#map1 = affine_map<(d0, d1) -> (0, 0)>
module attributes {stable_mosaic.version = 14 : i64} {
  func.func @_deg_kernel(%arg0: i32, %arg1: i32, %arg2: memref<320000xi32, #tpu.memory_space<hbm>>, %arg3: memref<320000xi32, #tpu.memory_space<hbm>>, %arg4: memref<2x10000xf32, #tpu.memory_space<hbm>>, %arg5: memref<2x10000xf32, #tpu.memory_space<hbm>>, %arg6: memref<10000xi32, #tpu.memory_space<vmem>>, %arg7: memref<10000xi32, #tpu.memory_space<vmem>>, %arg8: memref<10000xf32, #tpu.memory_space<vmem>>, %arg9: memref<10000xf32, #tpu.memory_space<vmem_shared>>, %arg10: memref<10000xf32, #tpu.memory_space<vmem_shared>>, %arg11: memref<!tpu.dma_semaphore, #tpu.memory_space<semaphore_mem>>, %arg12: memref<!tpu.dma_semaphore, #tpu.memory_space<semaphore_mem>>) attributes {dimension_semantics = [#tpu.dimension_semantics<core_parallel>, #tpu.dimension_semantics<subcore_parallel>], iteration_bounds = array<i64: 2, 16>, scalar_prefetch = 0 : i64, scratch_operands = 7 : i64, tpu.core_type = #tpu.core_type<sc_vector_subcore>, window_params = [{transform_indices = #map}, {transform_indices = #map}, {transform_indices = #map1}, {transform_indices = #map1}]} {
    %mul3A = arith.constant 16 : i32
    %mul3A_0 = arith.muli %arg0, %mul3A : i32
    %add3A = arith.addi %mul3A_0, %arg1 : i32
    %mul3A_1 = arith.constant 10000 : i32
    %mul3A_2 = arith.muli %add3A, %mul3A_1 : i32
    %dma_start3A = tpu.memref_slice %arg2[%mul3A_2] : memref<320000xi32, #tpu.memory_space<hbm>> -> memref<10000xi32, #tpu.memory_space<hbm>>
    %dma_start3A_3 = tpu.memref_slice %arg2[%mul3A_2] : memref<320000xi32, #tpu.memory_space<hbm>> -> memref<10000xi32, #tpu.memory_space<hbm>>
    tpu.enqueue_dma source(%dma_start3A_3 : memref<10000xi32, #tpu.memory_space<hbm>>) target(%arg6 : memref<10000xi32, #tpu.memory_space<vmem>>) target_semaphore(%arg11 : memref<!tpu.dma_semaphore, #tpu.memory_space<semaphore_mem>>)
    %dma_start3A_4 = tpu.memref_slice %arg3[%mul3A_2] : memref<320000xi32, #tpu.memory_space<hbm>> -> memref<10000xi32, #tpu.memory_space<hbm>>
    %dma_start3A_5 = tpu.memref_slice %arg3[%mul3A_2] : memref<320000xi32, #tpu.memory_space<hbm>> -> memref<10000xi32, #tpu.memory_space<hbm>>
    tpu.enqueue_dma source(%dma_start3A_5 : memref<10000xi32, #tpu.memory_space<hbm>>) target(%arg7 : memref<10000xi32, #tpu.memory_space<vmem>>) target_semaphore(%arg12 : memref<!tpu.dma_semaphore, #tpu.memory_space<semaphore_mem>>)
    %parallel_loop3A = arith.constant 0 : i32
    %parallel_loop3A_6 = arith.constant 625 : i32
    %parallel_loop3A_7 = arith.constant 1 : i32
    scf.for %parallel_loop3A_30 = %parallel_loop3A to %parallel_loop3A_6 step %parallel_loop3A_7  : i32 {
      %parallel_loop3A_31 = arith.constant 0.000000e+00 : f32
      %parallel_loop3A_32 = vector.broadcast %parallel_loop3A_31 : f32 to vector<16xf32>
      %parallel_loop3A_33 = arith.constant 16 : i32
      %parallel_loop3A_34 = arith.muli %parallel_loop3A_30, %parallel_loop3A_33 : i32
      %parallel_loop3A_35 = arith.index_cast %parallel_loop3A_34 : i32 to index
      %parallel_loop3A_36 = tpu.vector_load %arg8[%parallel_loop3A_35] {strides = array<i32>} : memref<10000xf32, #tpu.memory_space<vmem>>, vector<16xf32>,
      %parallel_loop3A_37 = vector.shape_cast %parallel_loop3A_36 : vector<16xf32> to vector<16xf32>
      %parallel_loop3A_38 = vector.shape_cast %parallel_loop3A_32 : vector<16xf32> to vector<16xf32>
      tpu.vector_store %arg8[%parallel_loop3A_35], %parallel_loop3A_38 {strides = array<i32>} : memref<10000xf32, #tpu.memory_space<vmem>>, vector<16xf32>,
    } {sc.loop_unroll_factor = 8 : i64, sc.parallel_access}
    %eq3A = arith.constant 0 : i32
    %eq3A_8 = arith.cmpi eq, %arg1, %eq3A : i32
    %convert_element_type3A = arith.extui %eq3A_8 : i1 to i32
    %cond3A = arith.constant 0 : i32
    %cond3A_9 = arith.cmpi ne, %convert_element_type3A, %cond3A : i32
    scf.if %cond3A_9 {
      "tpu.region"() ({
        %run_scoped3A = tpu.sem_alloc : memref<!tpu.dma_semaphore, #tpu.memory_space<semaphore_mem>>
        tpu.enqueue_dma source(%arg8 : memref<10000xf32, #tpu.memory_space<vmem>>) target(%arg9 : memref<10000xf32, #tpu.memory_space<vmem_shared>>) target_semaphore(%run_scoped3A : memref<!tpu.dma_semaphore, #tpu.memory_space<semaphore_mem>>)
        tpu.wait_dma2 semaphore(%run_scoped3A : memref<!tpu.dma_semaphore, #tpu.memory_space<semaphore_mem>>) src(%arg8 : memref<10000xf32, #tpu.memory_space<vmem>>) dst(%arg9 : memref<10000xf32, #tpu.memory_space<vmem_shared>>)
        tpu.yield
      }) : () -> ()
      "tpu.region"() ({
        %run_scoped3A = tpu.sem_alloc : memref<!tpu.dma_semaphore, #tpu.memory_space<semaphore_mem>>
        tpu.enqueue_dma source(%arg8 : memref<10000xf32, #tpu.memory_space<vmem>>) target(%arg10 : memref<10000xf32, #tpu.memory_space<vmem_shared>>) target_semaphore(%run_scoped3A : memref<!tpu.dma_semaphore, #tpu.memory_space<semaphore_mem>>)
        tpu.wait_dma2 semaphore(%run_scoped3A : memref<!tpu.dma_semaphore, #tpu.memory_space<semaphore_mem>>) src(%arg8 : memref<10000xf32, #tpu.memory_space<vmem>>) dst(%arg10 : memref<10000xf32, #tpu.memory_space<vmem_shared>>)
        tpu.yield
      }) : () -> ()
    } else {
    }
    %parallel_loop3A_10 = arith.constant 0 : i32
    %parallel_loop3A_11 = arith.constant 625 : i32
    %parallel_loop3A_12 = arith.constant 1 : i32
    scf.for %parallel_loop3A_30 = %parallel_loop3A_10 to %parallel_loop3A_11 step %parallel_loop3A_12  : i32 {
      %parallel_loop3A_31 = arith.constant 1.000000e+00 : f32
      %parallel_loop3A_32 = vector.broadcast %parallel_loop3A_31 : f32 to vector<16xf32>
      %parallel_loop3A_33 = arith.constant 16 : i32
      %parallel_loop3A_34 = arith.muli %parallel_loop3A_30, %parallel_loop3A_33 : i32
      %parallel_loop3A_35 = arith.index_cast %parallel_loop3A_34 : i32 to index
      %parallel_loop3A_36 = tpu.vector_load %arg8[%parallel_loop3A_35] {strides = array<i32>} : memref<10000xf32, #tpu.memory_space<vmem>>, vector<16xf32>,
      %parallel_loop3A_37 = vector.shape_cast %parallel_loop3A_36 : vector<16xf32> to vector<16xf32>
      %parallel_loop3A_38 = vector.shape_cast %parallel_loop3A_32 : vector<16xf32> to vector<16xf32>
      tpu.vector_store %arg8[%parallel_loop3A_35], %parallel_loop3A_38 {strides = array<i32>} : memref<10000xf32, #tpu.memory_space<vmem>>, vector<16xf32>,
    } {sc.loop_unroll_factor = 8 : i64, sc.parallel_access}
    %barrier3A = arith.constant 0 : index
    tpu.barrier barrier_id(%barrier3A)
    %dma_wait3A = tpu.memref_slice %arg2[%mul3A_2] : memref<320000xi32, #tpu.memory_space<hbm>> -> memref<10000xi32, #tpu.memory_space<hbm>>
    %dma_wait3A_13 = tpu.memref_slice %arg2[%mul3A_2] : memref<320000xi32, #tpu.memory_space<hbm>> -> memref<10000xi32, #tpu.memory_space<hbm>>
    tpu.wait_dma2 semaphore(%arg11 : memref<!tpu.dma_semaphore, #tpu.memory_space<semaphore_mem>>) src(%dma_wait3A_13 : memref<10000xi32, #tpu.memory_space<hbm>>) dst(%arg6 : memref<10000xi32, #tpu.memory_space<vmem>>)
    %dma_wait3A_14 = tpu.memref_slice %arg3[%mul3A_2] : memref<320000xi32, #tpu.memory_space<hbm>> -> memref<10000xi32, #tpu.memory_space<hbm>>
    %dma_wait3A_15 = tpu.memref_slice %arg3[%mul3A_2] : memref<320000xi32, #tpu.memory_space<hbm>> -> memref<10000xi32, #tpu.memory_space<hbm>>
    tpu.wait_dma2 semaphore(%arg12 : memref<!tpu.dma_semaphore, #tpu.memory_space<semaphore_mem>>) src(%dma_wait3A_15 : memref<10000xi32, #tpu.memory_space<hbm>>) dst(%arg7 : memref<10000xi32, #tpu.memory_space<vmem>>)
    %dma_start3A_16 = arith.constant 0 : i32
    %dma_start3A_17 = tpu.memref_slice %arg9[%dma_start3A_16] : memref<10000xf32, #tpu.memory_space<vmem_shared>> -> memref<10000xf32, #tpu.memory_space<vmem_shared>>
    tpu.enqueue_indirect_dma source(%arg8 : memref<10000xf32, #tpu.memory_space<vmem>>) target(%dma_start3A_17 : memref<10000xf32, #tpu.memory_space<vmem_shared>>) offsets(%arg6 : memref<10000xi32, #tpu.memory_space<vmem>>) semaphore(%arg11 : memref<!tpu.dma_semaphore, #tpu.memory_space<semaphore_mem>>) {add = true}
    %dma_start3A_18 = arith.constant 0 : i32
    %dma_start3A_19 = tpu.memref_slice %arg10[%dma_start3A_18] : memref<10000xf32, #tpu.memory_space<vmem_shared>> -> memref<10000xf32, #tpu.memory_space<vmem_shared>>
    tpu.enqueue_indirect_dma source(%arg8 : memref<10000xf32, #tpu.memory_space<vmem>>) target(%dma_start3A_19 : memref<10000xf32, #tpu.memory_space<vmem_shared>>) offsets(%arg7 : memref<10000xi32, #tpu.memory_space<vmem>>) semaphore(%arg12 : memref<!tpu.dma_semaphore, #tpu.memory_space<semaphore_mem>>) {add = true}
    %dma_wait3A_20 = arith.constant 0 : i32
    %dma_wait3A_21 = tpu.memref_slice %arg9[%dma_wait3A_20] : memref<10000xf32, #tpu.memory_space<vmem_shared>> -> memref<10000xf32, #tpu.memory_space<vmem_shared>>
    tpu.wait_indirect_dma semaphore(%arg11 : memref<!tpu.dma_semaphore, #tpu.memory_space<semaphore_mem>>) src(%arg8 : memref<10000xf32, #tpu.memory_space<vmem>>) dst(%dma_wait3A_21 : memref<10000xf32, #tpu.memory_space<vmem_shared>>)
    %dma_wait3A_22 = arith.constant 0 : i32
    %dma_wait3A_23 = tpu.memref_slice %arg10[%dma_wait3A_22] : memref<10000xf32, #tpu.memory_space<vmem_shared>> -> memref<10000xf32, #tpu.memory_space<vmem_shared>>
    tpu.wait_indirect_dma semaphore(%arg12 : memref<!tpu.dma_semaphore, #tpu.memory_space<semaphore_mem>>) src(%arg8 : memref<10000xf32, #tpu.memory_space<vmem>>) dst(%dma_wait3A_23 : memref<10000xf32, #tpu.memory_space<vmem_shared>>)
    %barrier3A_24 = arith.constant 0 : index
    tpu.barrier barrier_id(%barrier3A_24)
    %eq3A_25 = arith.constant 0 : i32
    %eq3A_26 = arith.cmpi eq, %arg1, %eq3A_25 : i32
    %convert_element_type3A_27 = arith.extui %eq3A_26 : i1 to i32
    %cond3A_28 = arith.constant 0 : i32
    %cond3A_29 = arith.cmpi ne, %convert_element_type3A_27, %cond3A_28 : i32
    scf.if %cond3A_29 {
      "tpu.region"() ({
        %run_scoped3A = tpu.sem_alloc : memref<!tpu.dma_semaphore, #tpu.memory_space<semaphore_mem>>
        %dma_start3A_30 = arith.constant 0 : i32
        %dma_start3A_31 = tpu.memref_slice %arg4[%arg0, %dma_start3A_30] : memref<2x10000xf32, #tpu.memory_space<hbm>> -> memref<1x10000xf32, #tpu.memory_space<hbm>>
        %dma_start3A_32 = tpu.memref_squeeze %dma_start3A_31 : memref<1x10000xf32, #tpu.memory_space<hbm>> -> memref<10000xf32, #tpu.memory_space<hbm>>
        tpu.enqueue_dma source(%arg9 : memref<10000xf32, #tpu.memory_space<vmem_shared>>) target(%dma_start3A_32 : memref<10000xf32, #tpu.memory_space<hbm>>) target_semaphore(%run_scoped3A : memref<!tpu.dma_semaphore, #tpu.memory_space<semaphore_mem>>)
        %dma_wait3A_33 = arith.constant 0 : i32
        %dma_wait3A_34 = tpu.memref_slice %arg4[%arg0, %dma_wait3A_33] : memref<2x10000xf32, #tpu.memory_space<hbm>> -> memref<1x10000xf32, #tpu.memory_space<hbm>>
        %dma_wait3A_35 = tpu.memref_squeeze %dma_wait3A_34 : memref<1x10000xf32, #tpu.memory_space<hbm>> -> memref<10000xf32, #tpu.memory_space<hbm>>
        tpu.wait_dma2 semaphore(%run_scoped3A : memref<!tpu.dma_semaphore, #tpu.memory_space<semaphore_mem>>) src(%arg9 : memref<10000xf32, #tpu.memory_space<vmem_shared>>) dst(%dma_wait3A_35 : memref<10000xf32, #tpu.memory_space<hbm>>)
        tpu.yield
      }) : () -> ()
      "tpu.region"() ({
        %run_scoped3A = tpu.sem_alloc : memref<!tpu.dma_semaphore, #tpu.memory_space<semaphore_mem>>
        %dma_start3A_30 = arith.constant 0 : i32
        %dma_start3A_31 = tpu.memref_slice %arg5[%arg0, %dma_start3A_30] : memref<2x10000xf32, #tpu.memory_space<hbm>> -> memref<1x10000xf32, #tpu.memory_space<hbm>>
        %dma_start3A_32 = tpu.memref_squeeze %dma_start3A_31 : memref<1x10000xf32, #tpu.memory_space<hbm>> -> memref<10000xf32, #tpu.memory_space<hbm>>
        tpu.enqueue_dma source(%arg10 : memref<10000xf32, #tpu.memory_space<vmem_shared>>) target(%dma_start3A_32 : memref<10000xf32, #tpu.memory_space<hbm>>) target_semaphore(%run_scoped3A : memref<!tpu.dma_semaphore, #tpu.memory_space<semaphore_mem>>)
        %dma_wait3A_33 = arith.constant 0 : i32
        %dma_wait3A_34 = tpu.memref_slice %arg5[%arg0, %dma_wait3A_33] : memref<2x10000xf32, #tpu.memory_space<hbm>> -> memref<1x10000xf32, #tpu.memory_space<hbm>>
        %dma_wait3A_35 = tpu.memref_squeeze %dma_wait3A_34 : memref<1x10000xf32, #tpu.memory_space<hbm>> -> memref<10000xf32, #tpu.memory_space<hbm>>
        tpu.wait_dma2 semaphore(%run_scoped3A : memref<!tpu.dma_semaphore, #tpu.memory_space<semaphore_mem>>) src(%arg10 : memref<10000xf32, #tpu.memory_space<vmem_shared>>) dst(%dma_wait3A_35 : memref<10000xf32, #tpu.memory_space<hbm>>)
        tpu.yield
      }) : () -> ()
    } else {
    }
    return
  }
}

#map = affine_map<(d0, d1) -> (0, 0)>
module attributes {stable_mosaic.version = 14 : i64} {
  func.func @_edge_kernel(%arg0: i32, %arg1: i32, %arg2: memref<10000x64xf32, #tpu.memory_space<hbm>>, %arg3: memref<2x10000xf32, #tpu.memory_space<hbm>>, %arg4: memref<1280x256xi32, #tpu.memory_space<hbm>>, %arg5: memref<1280x256xi32, #tpu.memory_space<hbm>>, %arg6: memref<1280x256xf32, #tpu.memory_space<hbm>>, %arg7: memref<20000x64xf32, #tpu.memory_space<hbm>>, %arg8: memref<40x256xi32, #tpu.memory_space<vmem>>, %arg9: memref<40x256xi32, #tpu.memory_space<vmem>>, %arg10: memref<40x256xf32, #tpu.memory_space<vmem>>, %arg11: memref<256x64xf32, #tpu.memory_space<vmem>>, %arg12: memref<256x64xf32, #tpu.memory_space<vmem>>, %arg13: memref<10000xf32, #tpu.memory_space<vmem>>, %arg14: memref<640xf32, #tpu.memory_space<vmem>>, %arg15: memref<640xf32, #tpu.memory_space<vmem>>, %arg16: memref<256xf32, #tpu.memory_space<vmem>>, %arg17: memref<10000xf32, #tpu.memory_space<vmem_shared>>, %arg18: memref<10000x64xf32, #tpu.memory_space<vmem_shared>>, %arg19: memref<!tpu.dma_semaphore, #tpu.memory_space<semaphore_mem>>, %arg20: memref<!tpu.dma_semaphore, #tpu.memory_space<semaphore_mem>>, %arg21: memref<!tpu.dma_semaphore, #tpu.memory_space<semaphore_mem>>, %arg22: memref<!tpu.dma_semaphore, #tpu.memory_space<semaphore_mem>>) attributes {dimension_semantics = [#tpu.dimension_semantics<core_parallel>, #tpu.dimension_semantics<subcore_parallel>], iteration_bounds = array<i64: 2, 16>, scalar_prefetch = 0 : i64, scratch_operands = 15 : i64, tpu.core_type = #tpu.core_type<sc_vector_subcore>, window_params = [{transform_indices = #map}, {transform_indices = #map}, {transform_indices = #map}, {transform_indices = #map}, {transform_indices = #map}, {transform_indices = #map}]} {
    %mul3A = arith.constant 16 : i32
    %mul3A_0 = arith.muli %arg0, %mul3A : i32
    %add3A = arith.addi %mul3A_0, %arg1 : i32
    %mul3A_1 = arith.constant 40 : i32
    %mul3A_2 = arith.muli %add3A, %mul3A_1 : i32
    "tpu.region"() ({
      %run_scoped3A_61 = tpu.sem_alloc : memref<!tpu.dma_semaphore, #tpu.memory_space<semaphore_mem>>
      %dma_start3A_62 = arith.constant 0 : i32
      %dma_start3A_63 = tpu.memref_slice %arg4[%mul3A_2, %dma_start3A_62] : memref<1280x256xi32, #tpu.memory_space<hbm>> -> memref<40x256xi32, #tpu.memory_space<hbm>>
      %dma_start3A_64 = arith.constant 0 : i32
      %dma_start3A_65 = tpu.memref_slice %arg4[%mul3A_2, %dma_start3A_64] : memref<1280x256xi32, #tpu.memory_space<hbm>> -> memref<40x256xi32, #tpu.memory_space<hbm>>
      tpu.enqueue_dma source(%dma_start3A_65 : memref<40x256xi32, #tpu.memory_space<hbm>>) target(%arg8 : memref<40x256xi32, #tpu.memory_space<vmem>>) target_semaphore(%run_scoped3A_61 : memref<!tpu.dma_semaphore, #tpu.memory_space<semaphore_mem>>)
      %dma_wait3A_66 = arith.constant 0 : i32
      %dma_wait3A_67 = tpu.memref_slice %arg4[%mul3A_2, %dma_wait3A_66] : memref<1280x256xi32, #tpu.memory_space<hbm>> -> memref<40x256xi32, #tpu.memory_space<hbm>>
      %dma_wait3A_68 = arith.constant 0 : i32
      %dma_wait3A_69 = tpu.memref_slice %arg4[%mul3A_2, %dma_wait3A_68] : memref<1280x256xi32, #tpu.memory_space<hbm>> -> memref<40x256xi32, #tpu.memory_space<hbm>>
      tpu.wait_dma2 semaphore(%run_scoped3A_61 : memref<!tpu.dma_semaphore, #tpu.memory_space<semaphore_mem>>) src(%dma_wait3A_69 : memref<40x256xi32, #tpu.memory_space<hbm>>) dst(%arg8 : memref<40x256xi32, #tpu.memory_space<vmem>>)
      tpu.yield
    }) : () -> ()
    "tpu.region"() ({
      %run_scoped3A_61 = tpu.sem_alloc : memref<!tpu.dma_semaphore, #tpu.memory_space<semaphore_mem>>
      %dma_start3A_62 = arith.constant 0 : i32
      %dma_start3A_63 = tpu.memref_slice %arg5[%mul3A_2, %dma_start3A_62] : memref<1280x256xi32, #tpu.memory_space<hbm>> -> memref<40x256xi32, #tpu.memory_space<hbm>>
      %dma_start3A_64 = arith.constant 0 : i32
      %dma_start3A_65 = tpu.memref_slice %arg5[%mul3A_2, %dma_start3A_64] : memref<1280x256xi32, #tpu.memory_space<hbm>> -> memref<40x256xi32, #tpu.memory_space<hbm>>
      tpu.enqueue_dma source(%dma_start3A_65 : memref<40x256xi32, #tpu.memory_space<hbm>>) target(%arg9 : memref<40x256xi32, #tpu.memory_space<vmem>>) target_semaphore(%run_scoped3A_61 : memref<!tpu.dma_semaphore, #tpu.memory_space<semaphore_mem>>)
      %dma_wait3A_66 = arith.constant 0 : i32
      %dma_wait3A_67 = tpu.memref_slice %arg5[%mul3A_2, %dma_wait3A_66] : memref<1280x256xi32, #tpu.memory_space<hbm>> -> memref<40x256xi32, #tpu.memory_space<hbm>>
      %dma_wait3A_68 = arith.constant 0 : i32
      %dma_wait3A_69 = tpu.memref_slice %arg5[%mul3A_2, %dma_wait3A_68] : memref<1280x256xi32, #tpu.memory_space<hbm>> -> memref<40x256xi32, #tpu.memory_space<hbm>>
      tpu.wait_dma2 semaphore(%run_scoped3A_61 : memref<!tpu.dma_semaphore, #tpu.memory_space<semaphore_mem>>) src(%dma_wait3A_69 : memref<40x256xi32, #tpu.memory_space<hbm>>) dst(%arg9 : memref<40x256xi32, #tpu.memory_space<vmem>>)
      tpu.yield
    }) : () -> ()
    "tpu.region"() ({
      %run_scoped3A_61 = tpu.sem_alloc : memref<!tpu.dma_semaphore, #tpu.memory_space<semaphore_mem>>
      %dma_start3A_62 = arith.constant 0 : i32
      %dma_start3A_63 = tpu.memref_slice %arg6[%mul3A_2, %dma_start3A_62] : memref<1280x256xf32, #tpu.memory_space<hbm>> -> memref<40x256xf32, #tpu.memory_space<hbm>>
      %dma_start3A_64 = arith.constant 0 : i32
      %dma_start3A_65 = tpu.memref_slice %arg6[%mul3A_2, %dma_start3A_64] : memref<1280x256xf32, #tpu.memory_space<hbm>> -> memref<40x256xf32, #tpu.memory_space<hbm>>
      tpu.enqueue_dma source(%dma_start3A_65 : memref<40x256xf32, #tpu.memory_space<hbm>>) target(%arg10 : memref<40x256xf32, #tpu.memory_space<vmem>>) target_semaphore(%run_scoped3A_61 : memref<!tpu.dma_semaphore, #tpu.memory_space<semaphore_mem>>)
      %dma_wait3A_66 = arith.constant 0 : i32
      %dma_wait3A_67 = tpu.memref_slice %arg6[%mul3A_2, %dma_wait3A_66] : memref<1280x256xf32, #tpu.memory_space<hbm>> -> memref<40x256xf32, #tpu.memory_space<hbm>>
      %dma_wait3A_68 = arith.constant 0 : i32
      %dma_wait3A_69 = tpu.memref_slice %arg6[%mul3A_2, %dma_wait3A_68] : memref<1280x256xf32, #tpu.memory_space<hbm>> -> memref<40x256xf32, #tpu.memory_space<hbm>>
      tpu.wait_dma2 semaphore(%run_scoped3A_61 : memref<!tpu.dma_semaphore, #tpu.memory_space<semaphore_mem>>) src(%dma_wait3A_69 : memref<40x256xf32, #tpu.memory_space<hbm>>) dst(%arg10 : memref<40x256xf32, #tpu.memory_space<vmem>>)
      tpu.yield
    }) : () -> ()
    %parallel_loop3A = arith.constant 0 : i32
    %parallel_loop3A_3 = arith.constant 256 : i32
    %parallel_loop3A_4 = arith.constant 1 : i32
    scf.for %parallel_loop3A_61 = %parallel_loop3A to %parallel_loop3A_3 step %parallel_loop3A_4  : i32 {
      %parallel_loop3A_62 = arith.constant 0.000000e+00 : f32
      %parallel_loop3A_63 = vector.broadcast %parallel_loop3A_62 : f32 to vector<16xf32>
      %parallel_loop3A_64 = arith.index_cast %parallel_loop3A_61 : i32 to index
      %parallel_loop3A_65 = arith.constant 0 : index
      %parallel_loop3A_66 = tpu.vector_load %arg11[%parallel_loop3A_64, %parallel_loop3A_65] {strides = array<i32>} : memref<256x64xf32, #tpu.memory_space<vmem>>, vector<16xf32>,
      tpu.vector_store %arg11[%parallel_loop3A_64, %parallel_loop3A_65], %parallel_loop3A_63 {strides = array<i32>} : memref<256x64xf32, #tpu.memory_space<vmem>>, vector<16xf32>,
      %parallel_loop3A_67 = arith.constant 0.000000e+00 : f32
      %parallel_loop3A_68 = vector.broadcast %parallel_loop3A_67 : f32 to vector<16xf32>
      %parallel_loop3A_69 = arith.index_cast %parallel_loop3A_61 : i32 to index
      %parallel_loop3A_70 = arith.constant 16 : index
      %parallel_loop3A_71 = tpu.vector_load %arg11[%parallel_loop3A_69, %parallel_loop3A_70] {strides = array<i32>} : memref<256x64xf32, #tpu.memory_space<vmem>>, vector<16xf32>,
      tpu.vector_store %arg11[%parallel_loop3A_69, %parallel_loop3A_70], %parallel_loop3A_68 {strides = array<i32>} : memref<256x64xf32, #tpu.memory_space<vmem>>, vector<16xf32>,
      %parallel_loop3A_72 = arith.constant 0.000000e+00 : f32
      %parallel_loop3A_73 = vector.broadcast %parallel_loop3A_72 : f32 to vector<16xf32>
      %parallel_loop3A_74 = arith.index_cast %parallel_loop3A_61 : i32 to index
      %parallel_loop3A_75 = arith.constant 32 : index
      %parallel_loop3A_76 = tpu.vector_load %arg11[%parallel_loop3A_74, %parallel_loop3A_75] {strides = array<i32>} : memref<256x64xf32, #tpu.memory_space<vmem>>, vector<16xf32>,
      tpu.vector_store %arg11[%parallel_loop3A_74, %parallel_loop3A_75], %parallel_loop3A_73 {strides = array<i32>} : memref<256x64xf32, #tpu.memory_space<vmem>>, vector<16xf32>,
      %parallel_loop3A_77 = arith.constant 0.000000e+00 : f32
      %parallel_loop3A_78 = vector.broadcast %parallel_loop3A_77 : f32 to vector<16xf32>
      %parallel_loop3A_79 = arith.index_cast %parallel_loop3A_61 : i32 to index
      %parallel_loop3A_80 = arith.constant 48 : index
      %parallel_loop3A_81 = tpu.vector_load %arg11[%parallel_loop3A_79, %parallel_loop3A_80] {strides = array<i32>} : memref<256x64xf32, #tpu.memory_space<vmem>>, vector<16xf32>,
      tpu.vector_store %arg11[%parallel_loop3A_79, %parallel_loop3A_80], %parallel_loop3A_78 {strides = array<i32>} : memref<256x64xf32, #tpu.memory_space<vmem>>, vector<16xf32>,
    } {sc.loop_unroll_factor = 8 : i64, sc.parallel_access}
    %mul3A_5 = arith.constant 632 : i32
    %mul3A_6 = arith.muli %arg1, %mul3A_5 : i32
    %min3A = arith.constant 9368 : i32
    %min3A_7 = arith.minsi %mul3A_6, %min3A : i32
    %multiple_of3A = tpu.assume_multiple %min3A_7, 8 : i32
    %add3A_8 = arith.constant 0 : i32
    %add3A_9 = arith.addi %multiple_of3A, %add3A_8 : i32
    "tpu.region"() ({
      %run_scoped3A_61 = tpu.sem_alloc : memref<!tpu.dma_semaphore, #tpu.memory_space<semaphore_mem>>
      %dma_start3A_62 = arith.constant 0 : i32
      %dma_start3A_63 = arith.constant 0 : i32
      %dma_start3A_64 = tpu.memref_slice %arg11[%dma_start3A_62, %dma_start3A_63] : memref<256x64xf32, #tpu.memory_space<vmem>> -> memref<248x64xf32, #tpu.memory_space<vmem>>
      %dma_start3A_65 = arith.constant 0 : i32
      %dma_start3A_66 = tpu.memref_slice %arg18[%add3A_9, %dma_start3A_65] : memref<10000x64xf32, #tpu.memory_space<vmem_shared>> -> memref<248x64xf32, #tpu.memory_space<vmem_shared>>
      %dma_start3A_67 = arith.constant 0 : i32
      %dma_start3A_68 = tpu.memref_slice %arg18[%add3A_9, %dma_start3A_67] : memref<10000x64xf32, #tpu.memory_space<vmem_shared>> -> memref<248x64xf32, #tpu.memory_space<vmem_shared>>
      %dma_start3A_69 = arith.constant 0 : i32
      %dma_start3A_70 = arith.constant 0 : i32
      %dma_start3A_71 = tpu.memref_slice %arg11[%dma_start3A_69, %dma_start3A_70] : memref<256x64xf32, #tpu.memory_space<vmem>> -> memref<248x64xf32, #tpu.memory_space<vmem>>
      tpu.enqueue_dma source(%dma_start3A_71 : memref<248x64xf32, #tpu.memory_space<vmem>>) target(%dma_start3A_68 : memref<248x64xf32, #tpu.memory_space<vmem_shared>>) target_semaphore(%run_scoped3A_61 : memref<!tpu.dma_semaphore, #tpu.memory_space<semaphore_mem>>)
      %dma_wait3A_72 = arith.constant 0 : i32
      %dma_wait3A_73 = arith.constant 0 : i32
      %dma_wait3A_74 = tpu.memref_slice %arg11[%dma_wait3A_72, %dma_wait3A_73] : memref<256x64xf32, #tpu.memory_space<vmem>> -> memref<248x64xf32, #tpu.memory_space<vmem>>
      %dma_wait3A_75 = arith.constant 0 : i32
      %dma_wait3A_76 = tpu.memref_slice %arg18[%add3A_9, %dma_wait3A_75] : memref<10000x64xf32, #tpu.memory_space<vmem_shared>> -> memref<248x64xf32, #tpu.memory_space<vmem_shared>>
      %dma_wait3A_77 = arith.constant 0 : i32
      %dma_wait3A_78 = tpu.memref_slice %arg18[%add3A_9, %dma_wait3A_77] : memref<10000x64xf32, #tpu.memory_space<vmem_shared>> -> memref<248x64xf32, #tpu.memory_space<vmem_shared>>
      %dma_wait3A_79 = arith.constant 0 : i32
      %dma_wait3A_80 = arith.constant 0 : i32
      %dma_wait3A_81 = tpu.memref_slice %arg11[%dma_wait3A_79, %dma_wait3A_80] : memref<256x64xf32, #tpu.memory_space<vmem>> -> memref<248x64xf32, #tpu.memory_space<vmem>>
      tpu.wait_dma2 semaphore(%run_scoped3A_61 : memref<!tpu.dma_semaphore, #tpu.memory_space<semaphore_mem>>) src(%dma_wait3A_81 : memref<248x64xf32, #tpu.memory_space<vmem>>) dst(%dma_wait3A_78 : memref<248x64xf32, #tpu.memory_space<vmem_shared>>)
      tpu.yield
    }) : () -> ()
    %add3A_10 = arith.constant 248 : i32
    %add3A_11 = arith.addi %multiple_of3A, %add3A_10 : i32
    "tpu.region"() ({
      %run_scoped3A_61 = tpu.sem_alloc : memref<!tpu.dma_semaphore, #tpu.memory_space<semaphore_mem>>
      %dma_start3A_62 = arith.constant 0 : i32
      %dma_start3A_63 = arith.constant 0 : i32
      %dma_start3A_64 = tpu.memref_slice %arg11[%dma_start3A_62, %dma_start3A_63] : memref<256x64xf32, #tpu.memory_space<vmem>> -> memref<248x64xf32, #tpu.memory_space<vmem>>
      %dma_start3A_65 = arith.constant 0 : i32
      %dma_start3A_66 = tpu.memref_slice %arg18[%add3A_11, %dma_start3A_65] : memref<10000x64xf32, #tpu.memory_space<vmem_shared>> -> memref<248x64xf32, #tpu.memory_space<vmem_shared>>
      %dma_start3A_67 = arith.constant 0 : i32
      %dma_start3A_68 = tpu.memref_slice %arg18[%add3A_11, %dma_start3A_67] : memref<10000x64xf32, #tpu.memory_space<vmem_shared>> -> memref<248x64xf32, #tpu.memory_space<vmem_shared>>
      %dma_start3A_69 = arith.constant 0 : i32
      %dma_start3A_70 = arith.constant 0 : i32
      %dma_start3A_71 = tpu.memref_slice %arg11[%dma_start3A_69, %dma_start3A_70] : memref<256x64xf32, #tpu.memory_space<vmem>> -> memref<248x64xf32, #tpu.memory_space<vmem>>
      tpu.enqueue_dma source(%dma_start3A_71 : memref<248x64xf32, #tpu.memory_space<vmem>>) target(%dma_start3A_68 : memref<248x64xf32, #tpu.memory_space<vmem_shared>>) target_semaphore(%run_scoped3A_61 : memref<!tpu.dma_semaphore, #tpu.memory_space<semaphore_mem>>)
      %dma_wait3A_72 = arith.constant 0 : i32
      %dma_wait3A_73 = arith.constant 0 : i32
      %dma_wait3A_74 = tpu.memref_slice %arg11[%dma_wait3A_72, %dma_wait3A_73] : memref<256x64xf32, #tpu.memory_space<vmem>> -> memref<248x64xf32, #tpu.memory_space<vmem>>
      %dma_wait3A_75 = arith.constant 0 : i32
      %dma_wait3A_76 = tpu.memref_slice %arg18[%add3A_11, %dma_wait3A_75] : memref<10000x64xf32, #tpu.memory_space<vmem_shared>> -> memref<248x64xf32, #tpu.memory_space<vmem_shared>>
      %dma_wait3A_77 = arith.constant 0 : i32
      %dma_wait3A_78 = tpu.memref_slice %arg18[%add3A_11, %dma_wait3A_77] : memref<10000x64xf32, #tpu.memory_space<vmem_shared>> -> memref<248x64xf32, #tpu.memory_space<vmem_shared>>
      %dma_wait3A_79 = arith.constant 0 : i32
      %dma_wait3A_80 = arith.constant 0 : i32
      %dma_wait3A_81 = tpu.memref_slice %arg11[%dma_wait3A_79, %dma_wait3A_80] : memref<256x64xf32, #tpu.memory_space<vmem>> -> memref<248x64xf32, #tpu.memory_space<vmem>>
      tpu.wait_dma2 semaphore(%run_scoped3A_61 : memref<!tpu.dma_semaphore, #tpu.memory_space<semaphore_mem>>) src(%dma_wait3A_81 : memref<248x64xf32, #tpu.memory_space<vmem>>) dst(%dma_wait3A_78 : memref<248x64xf32, #tpu.memory_space<vmem_shared>>)
      tpu.yield
    }) : () -> ()
    %add3A_12 = arith.constant 496 : i32
    %add3A_13 = arith.addi %multiple_of3A, %add3A_12 : i32
    "tpu.region"() ({
      %run_scoped3A_61 = tpu.sem_alloc : memref<!tpu.dma_semaphore, #tpu.memory_space<semaphore_mem>>
      %dma_start3A_62 = arith.constant 0 : i32
      %dma_start3A_63 = arith.constant 0 : i32
      %dma_start3A_64 = tpu.memref_slice %arg11[%dma_start3A_62, %dma_start3A_63] : memref<256x64xf32, #tpu.memory_space<vmem>> -> memref<136x64xf32, #tpu.memory_space<vmem>>
      %dma_start3A_65 = arith.constant 0 : i32
      %dma_start3A_66 = tpu.memref_slice %arg18[%add3A_13, %dma_start3A_65] : memref<10000x64xf32, #tpu.memory_space<vmem_shared>> -> memref<136x64xf32, #tpu.memory_space<vmem_shared>>
      %dma_start3A_67 = arith.constant 0 : i32
      %dma_start3A_68 = tpu.memref_slice %arg18[%add3A_13, %dma_start3A_67] : memref<10000x64xf32, #tpu.memory_space<vmem_shared>> -> memref<136x64xf32, #tpu.memory_space<vmem_shared>>
      %dma_start3A_69 = arith.constant 0 : i32
      %dma_start3A_70 = arith.constant 0 : i32
      %dma_start3A_71 = tpu.memref_slice %arg11[%dma_start3A_69, %dma_start3A_70] : memref<256x64xf32, #tpu.memory_space<vmem>> -> memref<136x64xf32, #tpu.memory_space<vmem>>
      tpu.enqueue_dma source(%dma_start3A_71 : memref<136x64xf32, #tpu.memory_space<vmem>>) target(%dma_start3A_68 : memref<136x64xf32, #tpu.memory_space<vmem_shared>>) target_semaphore(%run_scoped3A_61 : memref<!tpu.dma_semaphore, #tpu.memory_space<semaphore_mem>>)
      %dma_wait3A_72 = arith.constant 0 : i32
      %dma_wait3A_73 = arith.constant 0 : i32
      %dma_wait3A_74 = tpu.memref_slice %arg11[%dma_wait3A_72, %dma_wait3A_73] : memref<256x64xf32, #tpu.memory_space<vmem>> -> memref<136x64xf32, #tpu.memory_space<vmem>>
      %dma_wait3A_75 = arith.constant 0 : i32
      %dma_wait3A_76 = tpu.memref_slice %arg18[%add3A_13, %dma_wait3A_75] : memref<10000x64xf32, #tpu.memory_space<vmem_shared>> -> memref<136x64xf32, #tpu.memory_space<vmem_shared>>
      %dma_wait3A_77 = arith.constant 0 : i32
      %dma_wait3A_78 = tpu.memref_slice %arg18[%add3A_13, %dma_wait3A_77] : memref<10000x64xf32, #tpu.memory_space<vmem_shared>> -> memref<136x64xf32, #tpu.memory_space<vmem_shared>>
      %dma_wait3A_79 = arith.constant 0 : i32
      %dma_wait3A_80 = arith.constant 0 : i32
      %dma_wait3A_81 = tpu.memref_slice %arg11[%dma_wait3A_79, %dma_wait3A_80] : memref<256x64xf32, #tpu.memory_space<vmem>> -> memref<136x64xf32, #tpu.memory_space<vmem>>
      tpu.wait_dma2 semaphore(%run_scoped3A_61 : memref<!tpu.dma_semaphore, #tpu.memory_space<semaphore_mem>>) src(%dma_wait3A_81 : memref<136x64xf32, #tpu.memory_space<vmem>>) dst(%dma_wait3A_78 : memref<136x64xf32, #tpu.memory_space<vmem_shared>>)
      tpu.yield
    }) : () -> ()
    %dma_start3A = arith.constant 0 : i32
    %dma_start3A_14 = arith.constant 0 : i32
    %dma_start3A_15 = tpu.memref_slice %arg8[%dma_start3A, %dma_start3A_14] : memref<40x256xi32, #tpu.memory_space<vmem>> -> memref<1x256xi32, #tpu.memory_space<vmem>>
    %dma_start3A_16 = tpu.memref_squeeze %dma_start3A_15 : memref<1x256xi32, #tpu.memory_space<vmem>> -> memref<256xi32, #tpu.memory_space<vmem>>
    %dma_start3A_17 = arith.constant 0 : i32
    %dma_start3A_18 = arith.constant 0 : i32
    %dma_start3A_19 = tpu.memref_slice %arg2[%dma_start3A_17, %dma_start3A_18] : memref<10000x64xf32, #tpu.memory_space<hbm>> -> memref<10000x64xf32, #tpu.memory_space<hbm>>
    tpu.enqueue_indirect_dma source(%dma_start3A_19 : memref<10000x64xf32, #tpu.memory_space<hbm>>) target(%arg11 : memref<256x64xf32, #tpu.memory_space<vmem>>) offsets(%dma_start3A_16 : memref<256xi32, #tpu.memory_space<vmem>>) semaphore(%arg19 : memref<!tpu.dma_semaphore, #tpu.memory_space<semaphore_mem>>)
    %mul3A_20 = arith.constant 624 : i32
    %mul3A_21 = arith.muli %arg1, %mul3A_20 : i32
    %multiple_of3A_22 = tpu.assume_multiple %mul3A_21, 16 : i32
    %run_scoped3A = arith.constant 0 : i32
    "tpu.region"() ({
      %run_scoped3A_61 = tpu.sem_alloc : memref<!tpu.dma_semaphore, #tpu.memory_space<semaphore_mem>>
      %dma_start3A_62 = tpu.memref_slice %arg3[%run_scoped3A, %multiple_of3A_22] : memref<2x10000xf32, #tpu.memory_space<hbm>> -> memref<1x640xf32, #tpu.memory_space<hbm>>
      %dma_start3A_63 = tpu.memref_squeeze %dma_start3A_62 : memref<1x640xf32, #tpu.memory_space<hbm>> -> memref<640xf32, #tpu.memory_space<hbm>>
      %dma_start3A_64 = tpu.memref_slice %arg3[%run_scoped3A, %multiple_of3A_22] : memref<2x10000xf32, #tpu.memory_space<hbm>> -> memref<1x640xf32, #tpu.memory_space<hbm>>
      %dma_start3A_65 = tpu.memref_squeeze %dma_start3A_64 : memref<1x640xf32, #tpu.memory_space<hbm>> -> memref<640xf32, #tpu.memory_space<hbm>>
      tpu.enqueue_dma source(%dma_start3A_65 : memref<640xf32, #tpu.memory_space<hbm>>) target(%arg14 : memref<640xf32, #tpu.memory_space<vmem>>) target_semaphore(%run_scoped3A_61 : memref<!tpu.dma_semaphore, #tpu.memory_space<semaphore_mem>>)
      %dma_wait3A_66 = tpu.memref_slice %arg3[%run_scoped3A, %multiple_of3A_22] : memref<2x10000xf32, #tpu.memory_space<hbm>> -> memref<1x640xf32, #tpu.memory_space<hbm>>
      %dma_wait3A_67 = tpu.memref_squeeze %dma_wait3A_66 : memref<1x640xf32, #tpu.memory_space<hbm>> -> memref<640xf32, #tpu.memory_space<hbm>>
      %dma_wait3A_68 = tpu.memref_slice %arg3[%run_scoped3A, %multiple_of3A_22] : memref<2x10000xf32, #tpu.memory_space<hbm>> -> memref<1x640xf32, #tpu.memory_space<hbm>>
      %dma_wait3A_69 = tpu.memref_squeeze %dma_wait3A_68 : memref<1x640xf32, #tpu.memory_space<hbm>> -> memref<640xf32, #tpu.memory_space<hbm>>
      tpu.wait_dma2 semaphore(%run_scoped3A_61 : memref<!tpu.dma_semaphore, #tpu.memory_space<semaphore_mem>>) src(%dma_wait3A_69 : memref<640xf32, #tpu.memory_space<hbm>>) dst(%arg14 : memref<640xf32, #tpu.memory_space<vmem>>)
      tpu.yield
    }) : () -> ()
    %run_scoped3A_23 = arith.constant 1 : i32
    "tpu.region"() ({
      %run_scoped3A_61 = tpu.sem_alloc : memref<!tpu.dma_semaphore, #tpu.memory_space<semaphore_mem>>
      %dma_start3A_62 = tpu.memref_slice %arg3[%run_scoped3A_23, %multiple_of3A_22] : memref<2x10000xf32, #tpu.memory_space<hbm>> -> memref<1x640xf32, #tpu.memory_space<hbm>>
      %dma_start3A_63 = tpu.memref_squeeze %dma_start3A_62 : memref<1x640xf32, #tpu.memory_space<hbm>> -> memref<640xf32, #tpu.memory_space<hbm>>
      %dma_start3A_64 = tpu.memref_slice %arg3[%run_scoped3A_23, %multiple_of3A_22] : memref<2x10000xf32, #tpu.memory_space<hbm>> -> memref<1x640xf32, #tpu.memory_space<hbm>>
      %dma_start3A_65 = tpu.memref_squeeze %dma_start3A_64 : memref<1x640xf32, #tpu.memory_space<hbm>> -> memref<640xf32, #tpu.memory_space<hbm>>
      tpu.enqueue_dma source(%dma_start3A_65 : memref<640xf32, #tpu.memory_space<hbm>>) target(%arg15 : memref<640xf32, #tpu.memory_space<vmem>>) target_semaphore(%run_scoped3A_61 : memref<!tpu.dma_semaphore, #tpu.memory_space<semaphore_mem>>)
      %dma_wait3A_66 = tpu.memref_slice %arg3[%run_scoped3A_23, %multiple_of3A_22] : memref<2x10000xf32, #tpu.memory_space<hbm>> -> memref<1x640xf32, #tpu.memory_space<hbm>>
      %dma_wait3A_67 = tpu.memref_squeeze %dma_wait3A_66 : memref<1x640xf32, #tpu.memory_space<hbm>> -> memref<640xf32, #tpu.memory_space<hbm>>
      %dma_wait3A_68 = tpu.memref_slice %arg3[%run_scoped3A_23, %multiple_of3A_22] : memref<2x10000xf32, #tpu.memory_space<hbm>> -> memref<1x640xf32, #tpu.memory_space<hbm>>
      %dma_wait3A_69 = tpu.memref_squeeze %dma_wait3A_68 : memref<1x640xf32, #tpu.memory_space<hbm>> -> memref<640xf32, #tpu.memory_space<hbm>>
      tpu.wait_dma2 semaphore(%run_scoped3A_61 : memref<!tpu.dma_semaphore, #tpu.memory_space<semaphore_mem>>) src(%dma_wait3A_69 : memref<640xf32, #tpu.memory_space<hbm>>) dst(%arg15 : memref<640xf32, #tpu.memory_space<vmem>>)
      tpu.yield
    }) : () -> ()
    %parallel_loop3A_24 = arith.constant 0 : i32
    %parallel_loop3A_25 = arith.constant 40 : i32
    %parallel_loop3A_26 = arith.constant 1 : i32
    scf.for %parallel_loop3A_61 = %parallel_loop3A_24 to %parallel_loop3A_25 step %parallel_loop3A_26  : i32 {
      %parallel_loop3A_62 = arith.constant 16 : i32
      %parallel_loop3A_63 = arith.muli %parallel_loop3A_61, %parallel_loop3A_62 : i32
      %parallel_loop3A_64 = arith.index_cast %parallel_loop3A_63 : i32 to index
      %parallel_loop3A_65 = tpu.vector_load %arg14[%parallel_loop3A_64] {strides = array<i32>} : memref<640xf32, #tpu.memory_space<vmem>>, vector<16xf32>,
      %parallel_loop3A_66 = arith.index_cast %parallel_loop3A_63 : i32 to index
      %parallel_loop3A_67 = tpu.vector_load %arg15[%parallel_loop3A_66] {strides = array<i32>} : memref<640xf32, #tpu.memory_space<vmem>>, vector<16xf32>,
      %parallel_loop3A_68 = arith.addf %parallel_loop3A_65, %parallel_loop3A_67 : vector<16xf32>
      %parallel_loop3A_69 = arith.constant 1.000000e+00 : f32
      %parallel_loop3A_70 = vector.broadcast %parallel_loop3A_69 : f32 to vector<16xf32>
      %parallel_loop3A_71 = arith.maximumf %parallel_loop3A_68, %parallel_loop3A_70 : vector<16xf32>
      %parallel_loop3A_72 = vector.bitcast %parallel_loop3A_71 : vector<16xf32> to vector<16xi32>
      %parallel_loop3A_73 = arith.constant 1597463007 : i32
      %parallel_loop3A_74 = vector.broadcast %parallel_loop3A_73 : i32 to vector<16xi32>
      %parallel_loop3A_75 = arith.constant 1 : i32
      %parallel_loop3A_76 = vector.broadcast %parallel_loop3A_75 : i32 to vector<16xi32>
      %parallel_loop3A_77 = arith.shrui %parallel_loop3A_72, %parallel_loop3A_76 : vector<16xi32>
      %parallel_loop3A_78 = arith.subi %parallel_loop3A_74, %parallel_loop3A_77 : vector<16xi32>
      %parallel_loop3A_79 = vector.bitcast %parallel_loop3A_78 : vector<16xi32> to vector<16xf32>
      %parallel_loop3A_80 = arith.constant 5.000000e-01 : f32
      %parallel_loop3A_81 = vector.broadcast %parallel_loop3A_80 : f32 to vector<16xf32>
      %parallel_loop3A_82 = arith.mulf %parallel_loop3A_81, %parallel_loop3A_71 : vector<16xf32>
      %parallel_loop3A_83 = arith.mulf %parallel_loop3A_82, %parallel_loop3A_79 : vector<16xf32>
      %parallel_loop3A_84 = arith.mulf %parallel_loop3A_83, %parallel_loop3A_79 : vector<16xf32>
      %parallel_loop3A_85 = arith.constant 1.500000e+00 : f32
      %parallel_loop3A_86 = vector.broadcast %parallel_loop3A_85 : f32 to vector<16xf32>
      %parallel_loop3A_87 = arith.subf %parallel_loop3A_86, %parallel_loop3A_84 : vector<16xf32>
      %parallel_loop3A_88 = arith.mulf %parallel_loop3A_79, %parallel_loop3A_87 : vector<16xf32>
      %parallel_loop3A_89 = arith.mulf %parallel_loop3A_82, %parallel_loop3A_88 : vector<16xf32>
      %parallel_loop3A_90 = arith.mulf %parallel_loop3A_89, %parallel_loop3A_88 : vector<16xf32>
      %parallel_loop3A_91 = arith.constant 1.500000e+00 : f32
      %parallel_loop3A_92 = vector.broadcast %parallel_loop3A_91 : f32 to vector<16xf32>
      %parallel_loop3A_93 = arith.subf %parallel_loop3A_92, %parallel_loop3A_90 : vector<16xf32>
      %parallel_loop3A_94 = arith.mulf %parallel_loop3A_88, %parallel_loop3A_93 : vector<16xf32>
      %parallel_loop3A_95 = arith.mulf %parallel_loop3A_82, %parallel_loop3A_94 : vector<16xf32>
      %parallel_loop3A_96 = arith.mulf %parallel_loop3A_95, %parallel_loop3A_94 : vector<16xf32>
      %parallel_loop3A_97 = arith.constant 1.500000e+00 : f32
      %parallel_loop3A_98 = vector.broadcast %parallel_loop3A_97 : f32 to vector<16xf32>
      %parallel_loop3A_99 = arith.subf %parallel_loop3A_98, %parallel_loop3A_96 : vector<16xf32>
      %parallel_loop3A_100 = arith.mulf %parallel_loop3A_94, %parallel_loop3A_99 : vector<16xf32>
      %parallel_loop3A_101 = arith.index_cast %parallel_loop3A_63 : i32 to index
      %parallel_loop3A_102 = tpu.vector_load %arg14[%parallel_loop3A_101] {strides = array<i32>} : memref<640xf32, #tpu.memory_space<vmem>>, vector<16xf32>,
      tpu.vector_store %arg14[%parallel_loop3A_101], %parallel_loop3A_100 {strides = array<i32>} : memref<640xf32, #tpu.memory_space<vmem>>, vector<16xf32>,
    } {sc.loop_unroll_factor = 4 : i64, sc.parallel_access}
    "tpu.region"() ({
      %run_scoped3A_61 = tpu.sem_alloc : memref<!tpu.dma_semaphore, #tpu.memory_space<semaphore_mem>>
      %dma_start3A_62 = tpu.memref_slice %arg17[%multiple_of3A_22] : memref<10000xf32, #tpu.memory_space<vmem_shared>> -> memref<640xf32, #tpu.memory_space<vmem_shared>>
      %dma_start3A_63 = tpu.memref_slice %arg17[%multiple_of3A_22] : memref<10000xf32, #tpu.memory_space<vmem_shared>> -> memref<640xf32, #tpu.memory_space<vmem_shared>>
      tpu.enqueue_dma source(%arg14 : memref<640xf32, #tpu.memory_space<vmem>>) target(%dma_start3A_63 : memref<640xf32, #tpu.memory_space<vmem_shared>>) target_semaphore(%run_scoped3A_61 : memref<!tpu.dma_semaphore, #tpu.memory_space<semaphore_mem>>)
      %dma_wait3A_64 = tpu.memref_slice %arg17[%multiple_of3A_22] : memref<10000xf32, #tpu.memory_space<vmem_shared>> -> memref<640xf32, #tpu.memory_space<vmem_shared>>
      %dma_wait3A_65 = tpu.memref_slice %arg17[%multiple_of3A_22] : memref<10000xf32, #tpu.memory_space<vmem_shared>> -> memref<640xf32, #tpu.memory_space<vmem_shared>>
      tpu.wait_dma2 semaphore(%run_scoped3A_61 : memref<!tpu.dma_semaphore, #tpu.memory_space<semaphore_mem>>) src(%arg14 : memref<640xf32, #tpu.memory_space<vmem>>) dst(%dma_wait3A_65 : memref<640xf32, #tpu.memory_space<vmem_shared>>)
      tpu.yield
    }) : () -> ()
    %barrier3A = arith.constant 0 : index
    tpu.barrier barrier_id(%barrier3A)
    "tpu.region"() ({
      %run_scoped3A_61 = tpu.sem_alloc : memref<!tpu.dma_semaphore, #tpu.memory_space<semaphore_mem>>
      tpu.enqueue_dma source(%arg17 : memref<10000xf32, #tpu.memory_space<vmem_shared>>) target(%arg13 : memref<10000xf32, #tpu.memory_space<vmem>>) target_semaphore(%run_scoped3A_61 : memref<!tpu.dma_semaphore, #tpu.memory_space<semaphore_mem>>)
      tpu.wait_dma2 semaphore(%run_scoped3A_61 : memref<!tpu.dma_semaphore, #tpu.memory_space<semaphore_mem>>) src(%arg17 : memref<10000xf32, #tpu.memory_space<vmem_shared>>) dst(%arg13 : memref<10000xf32, #tpu.memory_space<vmem>>)
      tpu.yield
    }) : () -> ()
    %scan3A = arith.constant 0 : i32
    %scan3A_27 = arith.constant 0 : i32
    %scan3A_28 = arith.constant 20 : i32
    %scan3A_29 = arith.addi %scan3A_27, %scan3A_28 : i32
    %scan3A_30 = arith.constant 1 : i32
    %scan3A_31 = scf.for %scan3A_61 = %scan3A_27 to %scan3A_29 step %scan3A_30 iter_args(%scan3A_62 = %scan3A) -> (i32)  : i32 {
      %mul3A_63 = arith.constant 2 : i32
      %mul3A_64 = arith.muli %mul3A_63, %scan3A_61 : i32
      %add3A_65 = arith.constant 1 : i32
      %add3A_66 = arith.addi %mul3A_64, %add3A_65 : i32
      %gt3A = arith.constant 0 : i32
      %gt3A_67 = arith.cmpi sgt, %scan3A_61, %gt3A : i32
      %convert_element_type3A = arith.extui %gt3A_67 : i1 to i32
      %cond3A = arith.constant 0 : i32
      %cond3A_68 = arith.cmpi ne, %convert_element_type3A, %cond3A : i32
      scf.if %cond3A_68 {
        %dma_wait3A_123 = arith.constant 0 : i32
        %dma_wait3A_124 = tpu.memref_slice %arg9[%add3A_66, %dma_wait3A_123] : memref<40x256xi32, #tpu.memory_space<vmem>> -> memref<1x256xi32, #tpu.memory_space<vmem>>
        %dma_wait3A_125 = tpu.memref_squeeze %dma_wait3A_124 : memref<1x256xi32, #tpu.memory_space<vmem>> -> memref<256xi32, #tpu.memory_space<vmem>>
        %dma_wait3A_126 = arith.constant 0 : i32
        %dma_wait3A_127 = arith.constant 0 : i32
        %dma_wait3A_128 = tpu.memref_slice %arg18[%dma_wait3A_126, %dma_wait3A_127] : memref<10000x64xf32, #tpu.memory_space<vmem_shared>> -> memref<10000x64xf32, #tpu.memory_space<vmem_shared>>
        tpu.wait_indirect_dma semaphore(%arg22 : memref<!tpu.dma_semaphore, #tpu.memory_space<semaphore_mem>>) src(%arg12 : memref<256x64xf32, #tpu.memory_space<vmem>>) dst(%dma_wait3A_128 : memref<10000x64xf32, #tpu.memory_space<vmem_shared>>)
      } else {
      }
      %dma_start3A_69 = arith.constant 0 : i32
      %dma_start3A_70 = tpu.memref_slice %arg8[%add3A_66, %dma_start3A_69] : memref<40x256xi32, #tpu.memory_space<vmem>> -> memref<1x256xi32, #tpu.memory_space<vmem>>
      %dma_start3A_71 = tpu.memref_squeeze %dma_start3A_70 : memref<1x256xi32, #tpu.memory_space<vmem>> -> memref<256xi32, #tpu.memory_space<vmem>>
      %dma_start3A_72 = arith.constant 0 : i32
      %dma_start3A_73 = arith.constant 0 : i32
      %dma_start3A_74 = tpu.memref_slice %arg2[%dma_start3A_72, %dma_start3A_73] : memref<10000x64xf32, #tpu.memory_space<hbm>> -> memref<10000x64xf32, #tpu.memory_space<hbm>>
      tpu.enqueue_indirect_dma source(%dma_start3A_74 : memref<10000x64xf32, #tpu.memory_space<hbm>>) target(%arg12 : memref<256x64xf32, #tpu.memory_space<vmem>>) offsets(%dma_start3A_71 : memref<256xi32, #tpu.memory_space<vmem>>) semaphore(%arg20 : memref<!tpu.dma_semaphore, #tpu.memory_space<semaphore_mem>>)
      %dma_wait3A_75 = arith.constant 0 : i32
      %dma_wait3A_76 = tpu.memref_slice %arg8[%mul3A_64, %dma_wait3A_75] : memref<40x256xi32, #tpu.memory_space<vmem>> -> memref<1x256xi32, #tpu.memory_space<vmem>>
      %dma_wait3A_77 = tpu.memref_squeeze %dma_wait3A_76 : memref<1x256xi32, #tpu.memory_space<vmem>> -> memref<256xi32, #tpu.memory_space<vmem>>
      %dma_wait3A_78 = arith.constant 0 : i32
      %dma_wait3A_79 = arith.constant 0 : i32
      %dma_wait3A_80 = tpu.memref_slice %arg2[%dma_wait3A_78, %dma_wait3A_79] : memref<10000x64xf32, #tpu.memory_space<hbm>> -> memref<10000x64xf32, #tpu.memory_space<hbm>>
      tpu.wait_indirect_dma semaphore(%arg19 : memref<!tpu.dma_semaphore, #tpu.memory_space<semaphore_mem>>) src(%dma_wait3A_80 : memref<10000x64xf32, #tpu.memory_space<hbm>>) dst(%arg11 : memref<256x64xf32, #tpu.memory_space<vmem>>)
      %broadcast_in_dim3A = vector.broadcast %mul3A_64 : i32 to vector<16xi32>
      %parallel_loop3A_81 = arith.constant 0 : i32
      %parallel_loop3A_82 = arith.constant 16 : i32
      %parallel_loop3A_83 = arith.constant 1 : i32
      scf.for %parallel_loop3A_123 = %parallel_loop3A_81 to %parallel_loop3A_82 step %parallel_loop3A_83  : i32 {
        %parallel_loop3A_124 = arith.constant 16 : i32
        %parallel_loop3A_125 = arith.muli %parallel_loop3A_123, %parallel_loop3A_124 : i32
        %parallel_loop3A_126 = arith.index_cast %mul3A_64 : i32 to index
        %parallel_loop3A_127 = arith.index_cast %parallel_loop3A_125 : i32 to index
        %parallel_loop3A_128 = tpu.vector_load %arg8[%parallel_loop3A_126, %parallel_loop3A_127] {strides = array<i32>} : memref<40x256xi32, #tpu.memory_space<vmem>>, vector<16xi32>,
        %parallel_loop3A_129 = tpu.vector_load_idx %arg13[%parallel_loop3A_128] : memref<10000xf32, #tpu.memory_space<vmem>>[vector<16xi32>], vector<16xf32>,
        %parallel_loop3A_130 = arith.index_cast %mul3A_64 : i32 to index
        %parallel_loop3A_131 = arith.index_cast %parallel_loop3A_125 : i32 to index
        %parallel_loop3A_132 = tpu.vector_load %arg10[%parallel_loop3A_130, %parallel_loop3A_131] {strides = array<i32>} : memref<40x256xf32, #tpu.memory_space<vmem>>, vector<16xf32>,
        %parallel_loop3A_133 = arith.mulf %parallel_loop3A_132, %parallel_loop3A_129 : vector<16xf32>
        %parallel_loop3A_134 = arith.index_cast %parallel_loop3A_125 : i32 to index
        %parallel_loop3A_135 = tpu.vector_load %arg16[%parallel_loop3A_134] {strides = array<i32>} : memref<256xf32, #tpu.memory_space<vmem>>, vector<16xf32>,
        tpu.vector_store %arg16[%parallel_loop3A_134], %parallel_loop3A_133 {strides = array<i32>} : memref<256xf32, #tpu.memory_space<vmem>>, vector<16xf32>,
      } {sc.loop_unroll_factor = 4 : i64, sc.parallel_access}
      %parallel_loop3A_84 = arith.constant 0 : i32
      %parallel_loop3A_85 = arith.constant 256 : i32
      %parallel_loop3A_86 = arith.constant 1 : i32
      scf.for %parallel_loop3A_123 = %parallel_loop3A_84 to %parallel_loop3A_85 step %parallel_loop3A_86  : i32 {
        %parallel_loop3A_124 = vector.broadcast %parallel_loop3A_123 : i32 to vector<16xi32>
        %parallel_loop3A_125 = tpu.vector_load_idx %arg16[%parallel_loop3A_124] : memref<256xf32, #tpu.memory_space<vmem>>[vector<16xi32>], vector<16xf32>,
        %parallel_loop3A_126 = arith.index_cast %parallel_loop3A_123 : i32 to index
        %parallel_loop3A_127 = arith.constant 0 : index
        %parallel_loop3A_128 = tpu.vector_load %arg11[%parallel_loop3A_126, %parallel_loop3A_127] {strides = array<i32>} : memref<256x64xf32, #tpu.memory_space<vmem>>, vector<16xf32>,
        %parallel_loop3A_129 = arith.mulf %parallel_loop3A_128, %parallel_loop3A_125 : vector<16xf32>
        %parallel_loop3A_130 = arith.index_cast %parallel_loop3A_123 : i32 to index
        %parallel_loop3A_131 = arith.constant 0 : index
        %parallel_loop3A_132 = tpu.vector_load %arg11[%parallel_loop3A_130, %parallel_loop3A_131] {strides = array<i32>} : memref<256x64xf32, #tpu.memory_space<vmem>>, vector<16xf32>,
        tpu.vector_store %arg11[%parallel_loop3A_130, %parallel_loop3A_131], %parallel_loop3A_129 {strides = array<i32>} : memref<256x64xf32, #tpu.memory_space<vmem>>, vector<16xf32>,
        %parallel_loop3A_133 = arith.index_cast %parallel_loop3A_123 : i32 to index
        %parallel_loop3A_134 = arith.constant 16 : index
        %parallel_loop3A_135 = tpu.vector_load %arg11[%parallel_loop3A_133, %parallel_loop3A_134] {strides = array<i32>} : memref<256x64xf32, #tpu.memory_space<vmem>>, vector<16xf32>,
        %parallel_loop3A_136 = arith.mulf %parallel_loop3A_135, %parallel_loop3A_125 : vector<16xf32>
        %parallel_loop3A_137 = arith.index_cast %parallel_loop3A_123 : i32 to index
        %parallel_loop3A_138 = arith.constant 16 : index
        %parallel_loop3A_139 = tpu.vector_load %arg11[%parallel_loop3A_137, %parallel_loop3A_138] {strides = array<i32>} : memref<256x64xf32, #tpu.memory_space<vmem>>, vector<16xf32>,
        tpu.vector_store %arg11[%parallel_loop3A_137, %parallel_loop3A_138], %parallel_loop3A_136 {strides = array<i32>} : memref<256x64xf32, #tpu.memory_space<vmem>>, vector<16xf32>,
        %parallel_loop3A_140 = arith.index_cast %parallel_loop3A_123 : i32 to index
        %parallel_loop3A_141 = arith.constant 32 : index
        %parallel_loop3A_142 = tpu.vector_load %arg11[%parallel_loop3A_140, %parallel_loop3A_141] {strides = array<i32>} : memref<256x64xf32, #tpu.memory_space<vmem>>, vector<16xf32>,
        %parallel_loop3A_143 = arith.mulf %parallel_loop3A_142, %parallel_loop3A_125 : vector<16xf32>
        %parallel_loop3A_144 = arith.index_cast %parallel_loop3A_123 : i32 to index
        %parallel_loop3A_145 = arith.constant 32 : index
        %parallel_loop3A_146 = tpu.vector_load %arg11[%parallel_loop3A_144, %parallel_loop3A_145] {strides = array<i32>} : memref<256x64xf32, #tpu.memory_space<vmem>>, vector<16xf32>,
        tpu.vector_store %arg11[%parallel_loop3A_144, %parallel_loop3A_145], %parallel_loop3A_143 {strides = array<i32>} : memref<256x64xf32, #tpu.memory_space<vmem>>, vector<16xf32>,
        %parallel_loop3A_147 = arith.index_cast %parallel_loop3A_123 : i32 to index
        %parallel_loop3A_148 = arith.constant 48 : index
        %parallel_loop3A_149 = tpu.vector_load %arg11[%parallel_loop3A_147, %parallel_loop3A_148] {strides = array<i32>} : memref<256x64xf32, #tpu.memory_space<vmem>>, vector<16xf32>,
        %parallel_loop3A_150 = arith.mulf %parallel_loop3A_149, %parallel_loop3A_125 : vector<16xf32>
        %parallel_loop3A_151 = arith.index_cast %parallel_loop3A_123 : i32 to index
        %parallel_loop3A_152 = arith.constant 48 : index
        %parallel_loop3A_153 = tpu.vector_load %arg11[%parallel_loop3A_151, %parallel_loop3A_152] {strides = array<i32>} : memref<256x64xf32, #tpu.memory_space<vmem>>, vector<16xf32>,
        tpu.vector_store %arg11[%parallel_loop3A_151, %parallel_loop3A_152], %parallel_loop3A_150 {strides = array<i32>} : memref<256x64xf32, #tpu.memory_space<vmem>>, vector<16xf32>,
      } {sc.loop_unroll_factor = 8 : i64, sc.parallel_access}
      %dma_start3A_87 = arith.constant 0 : i32
      %dma_start3A_88 = tpu.memref_slice %arg9[%mul3A_64, %dma_start3A_87] : memref<40x256xi32, #tpu.memory_space<vmem>> -> memref<1x256xi32, #tpu.memory_space<vmem>>
      %dma_start3A_89 = tpu.memref_squeeze %dma_start3A_88 : memref<1x256xi32, #tpu.memory_space<vmem>> -> memref<256xi32, #tpu.memory_space<vmem>>
      %dma_start3A_90 = arith.constant 0 : i32
      %dma_start3A_91 = arith.constant 0 : i32
      %dma_start3A_92 = tpu.memref_slice %arg18[%dma_start3A_90, %dma_start3A_91] : memref<10000x64xf32, #tpu.memory_space<vmem_shared>> -> memref<10000x64xf32, #tpu.memory_space<vmem_shared>>
      tpu.enqueue_indirect_dma source(%arg11 : memref<256x64xf32, #tpu.memory_space<vmem>>) target(%dma_start3A_92 : memref<10000x64xf32, #tpu.memory_space<vmem_shared>>) offsets(%dma_start3A_89 : memref<256xi32, #tpu.memory_space<vmem>>) semaphore(%arg21 : memref<!tpu.dma_semaphore, #tpu.memory_space<semaphore_mem>>) {add = true}
      %dma_wait3A_93 = arith.constant 0 : i32
      %dma_wait3A_94 = tpu.memref_slice %arg8[%add3A_66, %dma_wait3A_93] : memref<40x256xi32, #tpu.memory_space<vmem>> -> memref<1x256xi32, #tpu.memory_space<vmem>>
      %dma_wait3A_95 = tpu.memref_squeeze %dma_wait3A_94 : memref<1x256xi32, #tpu.memory_space<vmem>> -> memref<256xi32, #tpu.memory_space<vmem>>
      %dma_wait3A_96 = arith.constant 0 : i32
      %dma_wait3A_97 = arith.constant 0 : i32
      %dma_wait3A_98 = tpu.memref_slice %arg2[%dma_wait3A_96, %dma_wait3A_97] : memref<10000x64xf32, #tpu.memory_space<hbm>> -> memref<10000x64xf32, #tpu.memory_space<hbm>>
      tpu.wait_indirect_dma semaphore(%arg20 : memref<!tpu.dma_semaphore, #tpu.memory_space<semaphore_mem>>) src(%dma_wait3A_98 : memref<10000x64xf32, #tpu.memory_space<hbm>>) dst(%arg12 : memref<256x64xf32, #tpu.memory_space<vmem>>)
      %broadcast_in_dim3A_99 = vector.broadcast %add3A_66 : i32 to vector<16xi32>
      %parallel_loop3A_100 = arith.constant 0 : i32
      %parallel_loop3A_101 = arith.constant 16 : i32
      %parallel_loop3A_102 = arith.constant 1 : i32
      scf.for %parallel_loop3A_123 = %parallel_loop3A_100 to %parallel_loop3A_101 step %parallel_loop3A_102  : i32 {
        %parallel_loop3A_124 = arith.constant 16 : i32
        %parallel_loop3A_125 = arith.muli %parallel_loop3A_123, %parallel_loop3A_124 : i32
        %parallel_loop3A_126 = arith.index_cast %add3A_66 : i32 to index
        %parallel_loop3A_127 = arith.index_cast %parallel_loop3A_125 : i32 to index
        %parallel_loop3A_128 = tpu.vector_load %arg8[%parallel_loop3A_126, %parallel_loop3A_127] {strides = array<i32>} : memref<40x256xi32, #tpu.memory_space<vmem>>, vector<16xi32>,
        %parallel_loop3A_129 = tpu.vector_load_idx %arg13[%parallel_loop3A_128] : memref<10000xf32, #tpu.memory_space<vmem>>[vector<16xi32>], vector<16xf32>,
        %parallel_loop3A_130 = arith.index_cast %add3A_66 : i32 to index
        %parallel_loop3A_131 = arith.index_cast %parallel_loop3A_125 : i32 to index
        %parallel_loop3A_132 = tpu.vector_load %arg10[%parallel_loop3A_130, %parallel_loop3A_131] {strides = array<i32>} : memref<40x256xf32, #tpu.memory_space<vmem>>, vector<16xf32>,
        %parallel_loop3A_133 = arith.mulf %parallel_loop3A_132, %parallel_loop3A_129 : vector<16xf32>
        %parallel_loop3A_134 = arith.index_cast %parallel_loop3A_125 : i32 to index
        %parallel_loop3A_135 = tpu.vector_load %arg16[%parallel_loop3A_134] {strides = array<i32>} : memref<256xf32, #tpu.memory_space<vmem>>, vector<16xf32>,
        tpu.vector_store %arg16[%parallel_loop3A_134], %parallel_loop3A_133 {strides = array<i32>} : memref<256xf32, #tpu.memory_space<vmem>>, vector<16xf32>,
      } {sc.loop_unroll_factor = 4 : i64, sc.parallel_access}
      %parallel_loop3A_103 = arith.constant 0 : i32
      %parallel_loop3A_104 = arith.constant 256 : i32
      %parallel_loop3A_105 = arith.constant 1 : i32
      scf.for %parallel_loop3A_123 = %parallel_loop3A_103 to %parallel_loop3A_104 step %parallel_loop3A_105  : i32 {
        %parallel_loop3A_124 = vector.broadcast %parallel_loop3A_123 : i32 to vector<16xi32>
        %parallel_loop3A_125 = tpu.vector_load_idx %arg16[%parallel_loop3A_124] : memref<256xf32, #tpu.memory_space<vmem>>[vector<16xi32>], vector<16xf32>,
        %parallel_loop3A_126 = arith.index_cast %parallel_loop3A_123 : i32 to index
        %parallel_loop3A_127 = arith.constant 0 : index
        %parallel_loop3A_128 = tpu.vector_load %arg12[%parallel_loop3A_126, %parallel_loop3A_127] {strides = array<i32>} : memref<256x64xf32, #tpu.memory_space<vmem>>, vector<16xf32>,
        %parallel_loop3A_129 = arith.mulf %parallel_loop3A_128, %parallel_loop3A_125 : vector<16xf32>
        %parallel_loop3A_130 = arith.index_cast %parallel_loop3A_123 : i32 to index
        %parallel_loop3A_131 = arith.constant 0 : index
        %parallel_loop3A_132 = tpu.vector_load %arg12[%parallel_loop3A_130, %parallel_loop3A_131] {strides = array<i32>} : memref<256x64xf32, #tpu.memory_space<vmem>>, vector<16xf32>,
        tpu.vector_store %arg12[%parallel_loop3A_130, %parallel_loop3A_131], %parallel_loop3A_129 {strides = array<i32>} : memref<256x64xf32, #tpu.memory_space<vmem>>, vector<16xf32>,
        %parallel_loop3A_133 = arith.index_cast %parallel_loop3A_123 : i32 to index
        %parallel_loop3A_134 = arith.constant 16 : index
        %parallel_loop3A_135 = tpu.vector_load %arg12[%parallel_loop3A_133, %parallel_loop3A_134] {strides = array<i32>} : memref<256x64xf32, #tpu.memory_space<vmem>>, vector<16xf32>,
        %parallel_loop3A_136 = arith.mulf %parallel_loop3A_135, %parallel_loop3A_125 : vector<16xf32>
        %parallel_loop3A_137 = arith.index_cast %parallel_loop3A_123 : i32 to index
        %parallel_loop3A_138 = arith.constant 16 : index
        %parallel_loop3A_139 = tpu.vector_load %arg12[%parallel_loop3A_137, %parallel_loop3A_138] {strides = array<i32>} : memref<256x64xf32, #tpu.memory_space<vmem>>, vector<16xf32>,
        tpu.vector_store %arg12[%parallel_loop3A_137, %parallel_loop3A_138], %parallel_loop3A_136 {strides = array<i32>} : memref<256x64xf32, #tpu.memory_space<vmem>>, vector<16xf32>,
        %parallel_loop3A_140 = arith.index_cast %parallel_loop3A_123 : i32 to index
        %parallel_loop3A_141 = arith.constant 32 : index
        %parallel_loop3A_142 = tpu.vector_load %arg12[%parallel_loop3A_140, %parallel_loop3A_141] {strides = array<i32>} : memref<256x64xf32, #tpu.memory_space<vmem>>, vector<16xf32>,
        %parallel_loop3A_143 = arith.mulf %parallel_loop3A_142, %parallel_loop3A_125 : vector<16xf32>
        %parallel_loop3A_144 = arith.index_cast %parallel_loop3A_123 : i32 to index
        %parallel_loop3A_145 = arith.constant 32 : index
        %parallel_loop3A_146 = tpu.vector_load %arg12[%parallel_loop3A_144, %parallel_loop3A_145] {strides = array<i32>} : memref<256x64xf32, #tpu.memory_space<vmem>>, vector<16xf32>,
        tpu.vector_store %arg12[%parallel_loop3A_144, %parallel_loop3A_145], %parallel_loop3A_143 {strides = array<i32>} : memref<256x64xf32, #tpu.memory_space<vmem>>, vector<16xf32>,
        %parallel_loop3A_147 = arith.index_cast %parallel_loop3A_123 : i32 to index
        %parallel_loop3A_148 = arith.constant 48 : index
        %parallel_loop3A_149 = tpu.vector_load %arg12[%parallel_loop3A_147, %parallel_loop3A_148] {strides = array<i32>} : memref<256x64xf32, #tpu.memory_space<vmem>>, vector<16xf32>,
        %parallel_loop3A_150 = arith.mulf %parallel_loop3A_149, %parallel_loop3A_125 : vector<16xf32>
        %parallel_loop3A_151 = arith.index_cast %parallel_loop3A_123 : i32 to index
        %parallel_loop3A_152 = arith.constant 48 : index
        %parallel_loop3A_153 = tpu.vector_load %arg12[%parallel_loop3A_151, %parallel_loop3A_152] {strides = array<i32>} : memref<256x64xf32, #tpu.memory_space<vmem>>, vector<16xf32>,
        tpu.vector_store %arg12[%parallel_loop3A_151, %parallel_loop3A_152], %parallel_loop3A_150 {strides = array<i32>} : memref<256x64xf32, #tpu.memory_space<vmem>>, vector<16xf32>,
      } {sc.loop_unroll_factor = 8 : i64, sc.parallel_access}
      %dma_start3A_106 = arith.constant 0 : i32
      %dma_start3A_107 = tpu.memref_slice %arg9[%add3A_66, %dma_start3A_106] : memref<40x256xi32, #tpu.memory_space<vmem>> -> memref<1x256xi32, #tpu.memory_space<vmem>>
      %dma_start3A_108 = tpu.memref_squeeze %dma_start3A_107 : memref<1x256xi32, #tpu.memory_space<vmem>> -> memref<256xi32, #tpu.memory_space<vmem>>
      %dma_start3A_109 = arith.constant 0 : i32
      %dma_start3A_110 = arith.constant 0 : i32
      %dma_start3A_111 = tpu.memref_slice %arg18[%dma_start3A_109, %dma_start3A_110] : memref<10000x64xf32, #tpu.memory_space<vmem_shared>> -> memref<10000x64xf32, #tpu.memory_space<vmem_shared>>
      tpu.enqueue_indirect_dma source(%arg12 : memref<256x64xf32, #tpu.memory_space<vmem>>) target(%dma_start3A_111 : memref<10000x64xf32, #tpu.memory_space<vmem_shared>>) offsets(%dma_start3A_108 : memref<256xi32, #tpu.memory_space<vmem>>) semaphore(%arg22 : memref<!tpu.dma_semaphore, #tpu.memory_space<semaphore_mem>>) {add = true}
      %dma_wait3A_112 = arith.constant 0 : i32
      %dma_wait3A_113 = tpu.memref_slice %arg9[%mul3A_64, %dma_wait3A_112] : memref<40x256xi32, #tpu.memory_space<vmem>> -> memref<1x256xi32, #tpu.memory_space<vmem>>
      %dma_wait3A_114 = tpu.memref_squeeze %dma_wait3A_113 : memref<1x256xi32, #tpu.memory_space<vmem>> -> memref<256xi32, #tpu.memory_space<vmem>>
      %dma_wait3A_115 = arith.constant 0 : i32
      %dma_wait3A_116 = arith.constant 0 : i32
      %dma_wait3A_117 = tpu.memref_slice %arg18[%dma_wait3A_115, %dma_wait3A_116] : memref<10000x64xf32, #tpu.memory_space<vmem_shared>> -> memref<10000x64xf32, #tpu.memory_space<vmem_shared>>
      tpu.wait_indirect_dma semaphore(%arg21 : memref<!tpu.dma_semaphore, #tpu.memory_space<semaphore_mem>>) src(%arg11 : memref<256x64xf32, #tpu.memory_space<vmem>>) dst(%dma_wait3A_117 : memref<10000x64xf32, #tpu.memory_space<vmem_shared>>)
      %lt3A = arith.constant 19 : i32
      %lt3A_118 = arith.cmpi slt, %scan3A_61, %lt3A : i32
      %convert_element_type3A_119 = arith.extui %lt3A_118 : i1 to i32
      %cond3A_120 = arith.constant 0 : i32
      %cond3A_121 = arith.cmpi ne, %convert_element_type3A_119, %cond3A_120 : i32
      scf.if %cond3A_121 {
        %add3A_123 = arith.constant 2 : i32
        %add3A_124 = arith.addi %mul3A_64, %add3A_123 : i32
        %dma_start3A_125 = arith.constant 0 : i32
        %dma_start3A_126 = tpu.memref_slice %arg8[%add3A_124, %dma_start3A_125] : memref<40x256xi32, #tpu.memory_space<vmem>> -> memref<1x256xi32, #tpu.memory_space<vmem>>
        %dma_start3A_127 = tpu.memref_squeeze %dma_start3A_126 : memref<1x256xi32, #tpu.memory_space<vmem>> -> memref<256xi32, #tpu.memory_space<vmem>>
        %dma_start3A_128 = arith.constant 0 : i32
        %dma_start3A_129 = arith.constant 0 : i32
        %dma_start3A_130 = tpu.memref_slice %arg2[%dma_start3A_128, %dma_start3A_129] : memref<10000x64xf32, #tpu.memory_space<hbm>> -> memref<10000x64xf32, #tpu.memory_space<hbm>>
        tpu.enqueue_indirect_dma source(%dma_start3A_130 : memref<10000x64xf32, #tpu.memory_space<hbm>>) target(%arg11 : memref<256x64xf32, #tpu.memory_space<vmem>>) offsets(%dma_start3A_127 : memref<256xi32, #tpu.memory_space<vmem>>) semaphore(%arg19 : memref<!tpu.dma_semaphore, #tpu.memory_space<semaphore_mem>>)
      } else {
      }
      %scan3A_122 = arith.constant 0 : i32
      scf.yield %scan3A_122 : i32
    }
    %scan3A_32 = arith.constant 20 : i32
    %dma_wait3A = arith.constant 39 : i32
    %dma_wait3A_33 = arith.constant 0 : i32
    %dma_wait3A_34 = tpu.memref_slice %arg9[%dma_wait3A, %dma_wait3A_33] : memref<40x256xi32, #tpu.memory_space<vmem>> -> memref<1x256xi32, #tpu.memory_space<vmem>>
    %dma_wait3A_35 = tpu.memref_squeeze %dma_wait3A_34 : memref<1x256xi32, #tpu.memory_space<vmem>> -> memref<256xi32, #tpu.memory_space<vmem>>
    %dma_wait3A_36 = arith.constant 0 : i32
    %dma_wait3A_37 = arith.constant 0 : i32
    %dma_wait3A_38 = tpu.memref_slice %arg18[%dma_wait3A_36, %dma_wait3A_37] : memref<10000x64xf32, #tpu.memory_space<vmem_shared>> -> memref<10000x64xf32, #tpu.memory_space<vmem_shared>>
    tpu.wait_indirect_dma semaphore(%arg22 : memref<!tpu.dma_semaphore, #tpu.memory_space<semaphore_mem>>) src(%arg12 : memref<256x64xf32, #tpu.memory_space<vmem>>) dst(%dma_wait3A_38 : memref<10000x64xf32, #tpu.memory_space<vmem_shared>>)
    %barrier3A_39 = arith.constant 0 : index
    tpu.barrier barrier_id(%barrier3A_39)
    %add3A_40 = arith.constant 0 : i32
    %add3A_41 = arith.addi %multiple_of3A, %add3A_40 : i32
    %mul3A_42 = arith.constant 10000 : i32
    %mul3A_43 = arith.muli %arg0, %mul3A_42 : i32
    %add3A_44 = arith.addi %mul3A_43, %multiple_of3A : i32
    %add3A_45 = arith.constant 0 : i32
    %add3A_46 = arith.addi %add3A_44, %add3A_45 : i32
    "tpu.region"() ({
      %run_scoped3A_61 = tpu.sem_alloc : memref<!tpu.dma_semaphore, #tpu.memory_space<semaphore_mem>>
      %dma_start3A_62 = arith.constant 0 : i32
      %dma_start3A_63 = tpu.memref_slice %arg7[%add3A_46, %dma_start3A_62] : memref<20000x64xf32, #tpu.memory_space<hbm>> -> memref<248x64xf32, #tpu.memory_space<hbm>>
      %dma_start3A_64 = arith.constant 0 : i32
      %dma_start3A_65 = tpu.memref_slice %arg18[%add3A_41, %dma_start3A_64] : memref<10000x64xf32, #tpu.memory_space<vmem_shared>> -> memref<248x64xf32, #tpu.memory_space<vmem_shared>>
      tpu.enqueue_dma source(%dma_start3A_65 : memref<248x64xf32, #tpu.memory_space<vmem_shared>>) target(%dma_start3A_63 : memref<248x64xf32, #tpu.memory_space<hbm>>) target_semaphore(%run_scoped3A_61 : memref<!tpu.dma_semaphore, #tpu.memory_space<semaphore_mem>>)
      %dma_wait3A_66 = arith.constant 0 : i32
      %dma_wait3A_67 = tpu.memref_slice %arg7[%add3A_46, %dma_wait3A_66] : memref<20000x64xf32, #tpu.memory_space<hbm>> -> memref<248x64xf32, #tpu.memory_space<hbm>>
      %dma_wait3A_68 = arith.constant 0 : i32
      %dma_wait3A_69 = tpu.memref_slice %arg18[%add3A_41, %dma_wait3A_68] : memref<10000x64xf32, #tpu.memory_space<vmem_shared>> -> memref<248x64xf32, #tpu.memory_space<vmem_shared>>
      tpu.wait_dma2 semaphore(%run_scoped3A_61 : memref<!tpu.dma_semaphore, #tpu.memory_space<semaphore_mem>>) src(%dma_wait3A_69 : memref<248x64xf32, #tpu.memory_space<vmem_shared>>) dst(%dma_wait3A_67 : memref<248x64xf32, #tpu.memory_space<hbm>>)
      tpu.yield
    }) : () -> ()
    %add3A_47 = arith.constant 248 : i32
    %add3A_48 = arith.addi %multiple_of3A, %add3A_47 : i32
    %mul3A_49 = arith.constant 10000 : i32
    %mul3A_50 = arith.muli %arg0, %mul3A_49 : i32
    %add3A_51 = arith.addi %mul3A_50, %multiple_of3A : i32
    %add3A_52 = arith.constant 248 : i32
    %add3A_53 = arith.addi %add3A_51, %add3A_52 : i32
    "tpu.region"() ({
      %run_scoped3A_61 = tpu.sem_alloc : memref<!tpu.dma_semaphore, #tpu.memory_space<semaphore_mem>>
      %dma_start3A_62 = arith.constant 0 : i32
      %dma_start3A_63 = tpu.memref_slice %arg7[%add3A_53, %dma_start3A_62] : memref<20000x64xf32, #tpu.memory_space<hbm>> -> memref<248x64xf32, #tpu.memory_space<hbm>>
      %dma_start3A_64 = arith.constant 0 : i32
      %dma_start3A_65 = tpu.memref_slice %arg18[%add3A_48, %dma_start3A_64] : memref<10000x64xf32, #tpu.memory_space<vmem_shared>> -> memref<248x64xf32, #tpu.memory_space<vmem_shared>>
      tpu.enqueue_dma source(%dma_start3A_65 : memref<248x64xf32, #tpu.memory_space<vmem_shared>>) target(%dma_start3A_63 : memref<248x64xf32, #tpu.memory_space<hbm>>) target_semaphore(%run_scoped3A_61 : memref<!tpu.dma_semaphore, #tpu.memory_space<semaphore_mem>>)
      %dma_wait3A_66 = arith.constant 0 : i32
      %dma_wait3A_67 = tpu.memref_slice %arg7[%add3A_53, %dma_wait3A_66] : memref<20000x64xf32, #tpu.memory_space<hbm>> -> memref<248x64xf32, #tpu.memory_space<hbm>>
      %dma_wait3A_68 = arith.constant 0 : i32
      %dma_wait3A_69 = tpu.memref_slice %arg18[%add3A_48, %dma_wait3A_68] : memref<10000x64xf32, #tpu.memory_space<vmem_shared>> -> memref<248x64xf32, #tpu.memory_space<vmem_shared>>
      tpu.wait_dma2 semaphore(%run_scoped3A_61 : memref<!tpu.dma_semaphore, #tpu.memory_space<semaphore_mem>>) src(%dma_wait3A_69 : memref<248x64xf32, #tpu.memory_space<vmem_shared>>) dst(%dma_wait3A_67 : memref<248x64xf32, #tpu.memory_space<hbm>>)
      tpu.yield
    }) : () -> ()
    %add3A_54 = arith.constant 496 : i32
    %add3A_55 = arith.addi %multiple_of3A, %add3A_54 : i32
    %mul3A_56 = arith.constant 10000 : i32
    %mul3A_57 = arith.muli %arg0, %mul3A_56 : i32
    %add3A_58 = arith.addi %mul3A_57, %multiple_of3A : i32
    %add3A_59 = arith.constant 496 : i32
    %add3A_60 = arith.addi %add3A_58, %add3A_59 : i32
    "tpu.region"() ({
      %run_scoped3A_61 = tpu.sem_alloc : memref<!tpu.dma_semaphore, #tpu.memory_space<semaphore_mem>>
      %dma_start3A_62 = arith.constant 0 : i32
      %dma_start3A_63 = tpu.memref_slice %arg7[%add3A_60, %dma_start3A_62] : memref<20000x64xf32, #tpu.memory_space<hbm>> -> memref<136x64xf32, #tpu.memory_space<hbm>>
      %dma_start3A_64 = arith.constant 0 : i32
      %dma_start3A_65 = tpu.memref_slice %arg18[%add3A_55, %dma_start3A_64] : memref<10000x64xf32, #tpu.memory_space<vmem_shared>> -> memref<136x64xf32, #tpu.memory_space<vmem_shared>>
      tpu.enqueue_dma source(%dma_start3A_65 : memref<136x64xf32, #tpu.memory_space<vmem_shared>>) target(%dma_start3A_63 : memref<136x64xf32, #tpu.memory_space<hbm>>) target_semaphore(%run_scoped3A_61 : memref<!tpu.dma_semaphore, #tpu.memory_space<semaphore_mem>>)
      %dma_wait3A_66 = arith.constant 0 : i32
      %dma_wait3A_67 = tpu.memref_slice %arg7[%add3A_60, %dma_wait3A_66] : memref<20000x64xf32, #tpu.memory_space<hbm>> -> memref<136x64xf32, #tpu.memory_space<hbm>>
      %dma_wait3A_68 = arith.constant 0 : i32
      %dma_wait3A_69 = tpu.memref_slice %arg18[%add3A_55, %dma_wait3A_68] : memref<10000x64xf32, #tpu.memory_space<vmem_shared>> -> memref<136x64xf32, #tpu.memory_space<vmem_shared>>
      tpu.wait_dma2 semaphore(%run_scoped3A_61 : memref<!tpu.dma_semaphore, #tpu.memory_space<semaphore_mem>>) src(%dma_wait3A_69 : memref<136x64xf32, #tpu.memory_space<vmem_shared>>) dst(%dma_wait3A_67 : memref<136x64xf32, #tpu.memory_space<hbm>>)
      tpu.yield
    }) : () -> ()
    return
  }
}

module attributes {stable_mosaic.version = 14 : i64} {
  func.func @_mm_body(%arg0: memref<10000x128xf32, #tpu.memory_space<vmem>>, %arg1: memref<128x64xf32, #tpu.memory_space<vmem>>, %arg2: memref<10000x64xf32, #tpu.memory_space<vmem>>) attributes {dimension_semantics = [], scalar_prefetch = 0 : i64, scratch_operands = 0 : i64, tpu.core_type = #tpu.core_type<tc>} {
    %get3A = arith.constant 0 : index
    %get3A_0 = arith.constant 0 : index
    %get3A_1 = vector.load %arg0[%get3A, %get3A_0] : memref<10000x128xf32, #tpu.memory_space<vmem>>, vector<10000x128xf32>
    %get3A_2 = arith.constant 0 : index
    %get3A_3 = arith.constant 0 : index
    %get3A_4 = vector.load %arg1[%get3A_2, %get3A_3] : memref<128x64xf32, #tpu.memory_space<vmem>>, vector<128x64xf32>
    %dot_general3A = arith.constant dense<0.000000e+00> : vector<10000x64xf32>
    %dot_general3A_5 = tpu.matmul %get3A_1, %get3A_4, %dot_general3A {dimension_numbers = #tpu.dot_dimension_numbers<[1], [0], [0], [1], [0, 0, 1, 1], [], []>, transpose_lhs_hint = false} : vector<10000x128xf32>, vector<128x64xf32>, vector<10000x64xf32> -> vector<10000x64xf32>
    %swap3A = arith.constant 0 : index
    %swap3A_6 = arith.constant 0 : index
    %swap3A_7 = vector.load %arg2[%swap3A, %swap3A_6] : memref<10000x64xf32, #tpu.memory_space<vmem>>, vector<10000x64xf32>
    tpu.vector_store %arg2[%swap3A, %swap3A_6], %dot_general3A_5 {strides = array<i32>} : memref<10000x64xf32, #tpu.memory_space<vmem>>, vector<10000x64xf32>,
    return
  }
}

module attributes {stable_mosaic.version = 14 : i64} {
  func.func @_epi_body(%arg0: memref<10000x128xf32, #tpu.memory_space<vmem>>, %arg1: memref<128x64xf32, #tpu.memory_space<vmem>>, %arg2: memref<20000x64xf32, #tpu.memory_space<vmem>>, %arg3: memref<2x10000x1xf32, #tpu.memory_space<vmem>>, %arg4: memref<10000x1xi32, #tpu.memory_space<vmem>>, %arg5: memref<1x64xf32, #tpu.memory_space<vmem>>, %arg6: memref<1x1xf32, #tpu.memory_space<vmem>>, %arg7: memref<10000x64xf32, #tpu.memory_space<vmem>>, %arg8: memref<64x64xf32, #tpu.memory_space<vmem>>, %arg9: memref<64x64xf32, #tpu.memory_space<vmem>>) attributes {dimension_semantics = [], scalar_prefetch = 0 : i64, scratch_operands = 0 : i64, tpu.core_type = #tpu.core_type<tc>} {
    %get3A = arith.constant 0 : index
    %get3A_0 = arith.constant 0 : index
    %get3A_1 = vector.load %arg6[%get3A, %get3A_0] : memref<1x1xf32, #tpu.memory_space<vmem>>, vector<1x1xf32>
    %get3A_2 = vector.extract %get3A_1[0, 0] : f32 from vector<1x1xf32>
    %get3A_3 = arith.constant 0 : index
    %get3A_4 = arith.constant 0 : index
    %get3A_5 = vector.load %arg5[%get3A_3, %get3A_4] : memref<1x64xf32, #tpu.memory_space<vmem>>, vector<1x64xf32>
    %get3A_6 = arith.constant 0 : index
    %get3A_7 = arith.constant 0 : index
    %get3A_8 = vector.load %arg2[%get3A_6, %get3A_7] : memref<20000x64xf32, #tpu.memory_space<vmem>>, vector<10000x64xf32>
    %get3A_9 = arith.constant 10000 : index
    %get3A_10 = arith.constant 0 : index
    %get3A_11 = vector.load %arg2[%get3A_9, %get3A_10] : memref<20000x64xf32, #tpu.memory_space<vmem>>, vector<10000x64xf32>
    %add3A = arith.addf %get3A_8, %get3A_11 : vector<10000x64xf32>
    %get3A_12 = arith.constant 0 : index
    %get3A_13 = arith.constant 0 : index
    %get3A_14 = arith.constant 0 : index
    %get3A_15 = vector.load %arg3[%get3A_12, %get3A_13, %get3A_14] : memref<2x10000x1xf32, #tpu.memory_space<vmem>>, vector<1x10000x1xf32>
    %get3A_16 = vector.shape_cast %get3A_15 : vector<1x10000x1xf32> to vector<10000x1xf32>
    %get3A_17 = arith.constant 1 : index
    %get3A_18 = arith.constant 0 : index
    %get3A_19 = arith.constant 0 : index
    %get3A_20 = vector.load %arg3[%get3A_17, %get3A_18, %get3A_19] : memref<2x10000x1xf32, #tpu.memory_space<vmem>>, vector<1x10000x1xf32>
    %get3A_21 = vector.shape_cast %get3A_20 : vector<1x10000x1xf32> to vector<10000x1xf32>
    %add3A_22 = arith.addf %get3A_16, %get3A_21 : vector<10000x1xf32>
    %max3A = arith.constant 1.000000e+00 : f32
    %max3A_23 = vector.broadcast %max3A : f32 to vector<10000x1xf32>
    %max3A_24 = arith.maximumf %add3A_22, %max3A_23 : vector<10000x1xf32>
    %rsqrt3A = math.rsqrt %max3A_24 : vector<10000x1xf32>
    %mul3A = vector.broadcast %rsqrt3A : vector<10000x1xf32> to vector<10000x64xf32>
    %mul3A_25 = arith.mulf %add3A, %mul3A : vector<10000x64xf32>
    %add3A_26 = vector.broadcast %get3A_5 : vector<1x64xf32> to vector<10000x64xf32>
    %add3A_27 = arith.addf %mul3A_25, %add3A_26 : vector<10000x64xf32>
    %max3A_28 = arith.constant 0.000000e+00 : f32
    %max3A_29 = vector.broadcast %max3A_28 : f32 to vector<10000x64xf32>
    %max3A_30 = arith.maximumf %add3A_27, %max3A_29 : vector<10000x64xf32>
    %min3A = arith.constant 0.000000e+00 : f32
    %min3A_31 = vector.broadcast %min3A : f32 to vector<10000x64xf32>
    %min3A_32 = arith.minimumf %add3A_27, %min3A_31 : vector<10000x64xf32>
    %mul3A_33 = vector.broadcast %get3A_2 : f32 to vector<10000x64xf32>
    %mul3A_34 = arith.mulf %mul3A_33, %min3A_32 : vector<10000x64xf32>
    %add3A_35 = arith.addf %max3A_30, %mul3A_34 : vector<10000x64xf32>
    %mul3A_36 = arith.mulf %add3A_35, %add3A_35 : vector<10000x64xf32>
    %reduce_sum3A = arith.constant dense<0.000000e+00> : vector<10000xf32>
    %reduce_sum3A_37 = vector.multi_reduction <add>, %mul3A_36, %reduce_sum3A [1] : vector<10000x64xf32> to vector<10000xf32>
    %broadcast_in_dim3A = vector.shape_cast %reduce_sum3A_37 : vector<10000xf32> to vector<10000x1xf32>
    %sqrt3A = math.sqrt %broadcast_in_dim3A : vector<10000x1xf32>
    %max3A_38 = arith.constant 9.99999996E-13 : f32
    %max3A_39 = vector.broadcast %max3A_38 : f32 to vector<10000x1xf32>
    %max3A_40 = arith.maximumf %sqrt3A, %max3A_39 : vector<10000x1xf32>
    %div3A = vector.broadcast %max3A_40 : vector<10000x1xf32> to vector<10000x64xf32>
    %div3A_41 = arith.divf %add3A_35, %div3A : vector<10000x64xf32>
    %swap3A = arith.constant 0 : index
    %swap3A_42 = arith.constant 0 : index
    %swap3A_43 = vector.load %arg7[%swap3A, %swap3A_42] : memref<10000x64xf32, #tpu.memory_space<vmem>>, vector<10000x64xf32>
    tpu.vector_store %arg7[%swap3A, %swap3A_42], %div3A_41 {strides = array<i32>} : memref<10000x64xf32, #tpu.memory_space<vmem>>, vector<10000x64xf32>,
    %get3A_44 = arith.constant 0 : index
    %get3A_45 = arith.constant 0 : index
    %get3A_46 = vector.load %arg4[%get3A_44, %get3A_45] : memref<10000x1xi32, #tpu.memory_space<vmem>>, vector<10000x1xi32>
    %iota3A = tpu.iota {dimensions = array<i32: 1>} : vector<10000x64xi32>
    %eq3A = vector.broadcast %get3A_46 : vector<10000x1xi32> to vector<10000x64xi32>
    %eq3A_47 = arith.cmpi eq, %eq3A, %iota3A : vector<10000x64xi32>
    %convert_element_type3A = arith.extui %eq3A_47 : vector<10000x64xi1> to vector<10000x64xi32>
    %convert_element_type3A_48 = arith.sitofp %convert_element_type3A : vector<10000x64xi32> to vector<10000x64xf32>
    %broadcast_in_dim3A_49 = arith.constant 1.000000e+00 : f32
    %broadcast_in_dim3A_50 = vector.broadcast %broadcast_in_dim3A_49 : f32 to vector<10000x1xf32>
    %dot_general3A = arith.constant dense<0.000000e+00> : vector<64x64xf32>
    %dot_general3A_51 = tpu.matmul %convert_element_type3A_48, %add3A_35, %dot_general3A {dimension_numbers = #tpu.dot_dimension_numbers<[0], [0], [1], [1], [0, 1, 1, 1], [], []>, transpose_lhs_hint = false} : vector<10000x64xf32>, vector<10000x64xf32>, vector<64x64xf32> -> vector<64x64xf32>
    %dot_general3A_52 = arith.constant dense<0.000000e+00> : vector<64x1xf32>
    %dot_general3A_53 = tpu.matmul %convert_element_type3A_48, %broadcast_in_dim3A_50, %dot_general3A_52 {dimension_numbers = #tpu.dot_dimension_numbers<[0], [0], [1], [1], [0, 1, 1, 1], [], []>, transpose_lhs_hint = false} : vector<10000x64xf32>, vector<10000x1xf32>, vector<64x1xf32> -> vector<64x1xf32>
    %max3A_54 = arith.constant 1.000000e+00 : f32
    %max3A_55 = vector.broadcast %max3A_54 : f32 to vector<64x1xf32>
    %max3A_56 = arith.maximumf %dot_general3A_53, %max3A_55 : vector<64x1xf32>
    %div3A_57 = vector.broadcast %max3A_56 : vector<64x1xf32> to vector<64x64xf32>
    %div3A_58 = arith.divf %dot_general3A_51, %div3A_57 : vector<64x64xf32>
    %mul3A_59 = arith.mulf %div3A_58, %div3A_58 : vector<64x64xf32>
    %reduce_sum3A_60 = arith.constant dense<0.000000e+00> : vector<64xf32>
    %reduce_sum3A_61 = vector.multi_reduction <add>, %mul3A_59, %reduce_sum3A_60 [1] : vector<64x64xf32> to vector<64xf32>
    %broadcast_in_dim3A_62 = vector.shape_cast %reduce_sum3A_61 : vector<64xf32> to vector<64x1xf32>
    %sqrt3A_63 = math.sqrt %broadcast_in_dim3A_62 : vector<64x1xf32>
    %max3A_64 = arith.constant 9.99999996E-13 : f32
    %max3A_65 = vector.broadcast %max3A_64 : f32 to vector<64x1xf32>
    %max3A_66 = arith.maximumf %sqrt3A_63, %max3A_65 : vector<64x1xf32>
    %div3A_67 = vector.broadcast %max3A_66 : vector<64x1xf32> to vector<64x64xf32>
    %div3A_68 = arith.divf %div3A_58, %div3A_67 : vector<64x64xf32>
    %swap3A_69 = arith.constant 0 : index
    %swap3A_70 = arith.constant 0 : index
    %swap3A_71 = vector.load %arg8[%swap3A_69, %swap3A_70] : memref<64x64xf32, #tpu.memory_space<vmem>>, vector<64x64xf32>
    tpu.vector_store %arg8[%swap3A_69, %swap3A_70], %div3A_68 {strides = array<i32>} : memref<64x64xf32, #tpu.memory_space<vmem>>, vector<64x64xf32>,
    %lt3A = vector.broadcast %get3A_46 : vector<10000x1xi32> to vector<10000x64xi32>
    %lt3A_72 = arith.cmpi slt, %lt3A, %iota3A : vector<10000x64xi32>
    %convert_element_type3A_73 = arith.extui %lt3A_72 : vector<10000x64xi1> to vector<10000x64xi32>
    %convert_element_type3A_74 = arith.sitofp %convert_element_type3A_73 : vector<10000x64xi32> to vector<10000x64xf32>
    %dot_general3A_75 = arith.constant dense<0.000000e+00> : vector<1x64xf32>
    %dot_general3A_76 = tpu.matmul %broadcast_in_dim3A_50, %convert_element_type3A_74, %dot_general3A_75 {dimension_numbers = #tpu.dot_dimension_numbers<[0], [0], [1], [1], [0, 1, 1, 1], [], []>, transpose_lhs_hint = false} : vector<10000x1xf32>, vector<10000x64xf32>, vector<1x64xf32> -> vector<1x64xf32>
    %min3A_77 = arith.constant 9.999000e+03 : f32
    %min3A_78 = vector.broadcast %min3A_77 : f32 to vector<1x64xf32>
    %min3A_79 = arith.minimumf %dot_general3A_76, %min3A_78 : vector<1x64xf32>
    %convert_element_type3A_80 = arith.fptosi %min3A_79 : vector<1x64xf32> to vector<1x64xi32>
    %iota3A_81 = tpu.iota {dimensions = array<i32: 0>} : vector<10000x64xi32>
    %eq3A_82 = vector.broadcast %convert_element_type3A_80 : vector<1x64xi32> to vector<10000x64xi32>
    %eq3A_83 = arith.cmpi eq, %iota3A_81, %eq3A_82 : vector<10000x64xi32>
    %convert_element_type3A_84 = arith.extui %eq3A_83 : vector<10000x64xi1> to vector<10000x64xi32>
    %convert_element_type3A_85 = arith.sitofp %convert_element_type3A_84 : vector<10000x64xi32> to vector<10000x64xf32>
    %get3A_86 = arith.constant 0 : index
    %get3A_87 = arith.constant 0 : index
    %get3A_88 = vector.load %arg0[%get3A_86, %get3A_87] : memref<10000x128xf32, #tpu.memory_space<vmem>>, vector<10000x128xf32>
    %dot_general3A_89 = arith.constant dense<0.000000e+00> : vector<64x128xf32>
    %dot_general3A_90 = tpu.matmul %convert_element_type3A_85, %get3A_88, %dot_general3A_89 {dimension_numbers = #tpu.dot_dimension_numbers<[0], [0], [1], [1], [0, 1, 1, 1], [], []>, transpose_lhs_hint = false} : vector<10000x64xf32>, vector<10000x128xf32>, vector<64x128xf32> -> vector<64x128xf32>
    %get3A_91 = arith.constant 0 : index
    %get3A_92 = arith.constant 0 : index
    %get3A_93 = vector.load %arg1[%get3A_91, %get3A_92] : memref<128x64xf32, #tpu.memory_space<vmem>>, vector<128x64xf32>
    %dot_general3A_94 = arith.constant dense<0.000000e+00> : vector<64x64xf32>
    %dot_general3A_95 = tpu.matmul %dot_general3A_90, %get3A_93, %dot_general3A_94 {dimension_numbers = #tpu.dot_dimension_numbers<[1], [0], [0], [1], [0, 0, 1, 1], [], []>, transpose_lhs_hint = false} : vector<64x128xf32>, vector<128x64xf32>, vector<64x64xf32> -> vector<64x64xf32>
    %add3A_96 = vector.broadcast %get3A_5 : vector<1x64xf32> to vector<64x64xf32>
    %add3A_97 = arith.addf %dot_general3A_95, %add3A_96 : vector<64x64xf32>
    %max3A_98 = arith.constant 0.000000e+00 : f32
    %max3A_99 = vector.broadcast %max3A_98 : f32 to vector<64x64xf32>
    %max3A_100 = arith.maximumf %add3A_97, %max3A_99 : vector<64x64xf32>
    %min3A_101 = arith.constant 0.000000e+00 : f32
    %min3A_102 = vector.broadcast %min3A_101 : f32 to vector<64x64xf32>
    %min3A_103 = arith.minimumf %add3A_97, %min3A_102 : vector<64x64xf32>
    %mul3A_104 = vector.broadcast %get3A_2 : f32 to vector<64x64xf32>
    %mul3A_105 = arith.mulf %mul3A_104, %min3A_103 : vector<64x64xf32>
    %add3A_106 = arith.addf %max3A_100, %mul3A_105 : vector<64x64xf32>
    %mul3A_107 = arith.mulf %add3A_106, %add3A_106 : vector<64x64xf32>
    %reduce_sum3A_108 = arith.constant dense<0.000000e+00> : vector<64xf32>
    %reduce_sum3A_109 = vector.multi_reduction <add>, %mul3A_107, %reduce_sum3A_108 [1] : vector<64x64xf32> to vector<64xf32>
    %broadcast_in_dim3A_110 = vector.shape_cast %reduce_sum3A_109 : vector<64xf32> to vector<64x1xf32>
    %sqrt3A_111 = math.sqrt %broadcast_in_dim3A_110 : vector<64x1xf32>
    %max3A_112 = arith.constant 9.99999996E-13 : f32
    %max3A_113 = vector.broadcast %max3A_112 : f32 to vector<64x1xf32>
    %max3A_114 = arith.maximumf %sqrt3A_111, %max3A_113 : vector<64x1xf32>
    %div3A_115 = vector.broadcast %max3A_114 : vector<64x1xf32> to vector<64x64xf32>
    %div3A_116 = arith.divf %add3A_106, %div3A_115 : vector<64x64xf32>
    %swap3A_117 = arith.constant 0 : index
    %swap3A_118 = arith.constant 0 : index
    %swap3A_119 = vector.load %arg9[%swap3A_117, %swap3A_118] : memref<64x64xf32, #tpu.memory_space<vmem>>, vector<64x64xf32>
    tpu.vector_store %arg9[%swap3A_117, %swap3A_118], %div3A_116 {strides = array<i32>} : memref<64x64xf32, #tpu.memory_space<vmem>>, vector<64x64xf32>,
    return
  }
}

</mosaic_0001>

<sc_bundles>
// kernel: kernel.6.cloned.1.call-start
scs
__scs_entry_jumppad:
0x0: {  	(pc) =	sbr.rel $0x88, $3  }
0x1: {  	(tag) =	ssettag $0x0;
	lr =	simm.s32 $0x1  }
0x2: {  	[smem:$0x3F9A] =	sst lr;
	_ =	strace $0xD0000000  }
0x3: {  	_ = 	snop  }
0x4: {  	_ = 	snop  }
0x5: {  	_ = 	snop  }
0x6: {  	_ = 	snop  }
0x7: {  	_ = 	snop  }
__scs_overlays_trampoline_lowered:
0x8: {  	[smem:$0x3FA9] =	sst s0  }
0x9: {  	[smem:$0x3FAA] =	sst s1  }
0xa: {  	[smem:$0x3FAB] =	sst s2  }
0xb: {  	[smem:$0x3FAC] =	sst s3  }
0xc: {  	[smem:$0x3FAD] =	sst s4  }
0xd: {  	[smem:$0x3FAE] =	sst s5  }
0xe: {  	[smem:$0x3FAF] =	sst s6  }
0xf: {  	[smem:$0x3FB0] =	sst s7  }
0x10: {  	[smem:$0x3FB1] =	sst s8  }
0x11: {  	[smem:$0x3FB2] =	sst s9;
	s0 =	simm.s32 @!p0 $0x0  }
0x12: {  	s1 =	sld [smem:$0x3F98];
	s0 =	simm.s32 @p0 $0x1  }
0x13: {  	[smem:$0x3FB3] =	sst s0;
	s0 =	simm.s32 @!p1 $0x0  }
0x14: {  	s2 =	sld [smem:$0x3F97];
	s0 =	simm.s32 @p1 $0x1  }
0x15: {  	[smem:$0x3FB4] =	sst s0;
	s0 =	simm.s32 @!p2 $0x0  }
0x16: {  	s3 =	sld [smem:$0x3FDB];
	s0 =	simm.s32 @p2 $0x1  }
0x17: {  	s4 =	simm.s32 $0x1BF5;
	[smem:$0x3FB6] =	sst s0  }
0x18: {  	s0 =	sld [smem:$0x3F99];
	_ =	swait.ge [sflag:s4], $0x0  }
0x19: {  	s7 =	sld [smem:$0x3F9A]  }
0x1a: {  	s8 =	sadd.s32 $0xFFFFE003, lr  }
0x1b: {  	s9 =	sadd.s32 $0xFFFFFEF7, lr;
	s5 =	simm.s32 $0xFFFFFFFF;
	p2 =	slt.u32 s8, $0xFFFFF086  }
0x1c: {  	p1 =	slt.u32 s9, $0xF7A;
	s5 =	simm.s32 @!p2 $0x0  }
0x1d: {  	s5 =	simm.s32 @p1 $0x1;
	p0 =	seq.s32 s7, s2  }
0x1e: {  	s7 =	smul.u32 @!p0 $0xF7A, s2;
	p2 =	seq.s32 @!p0 s5, $0x0  }
0x1f: {  	s9 =	smul.u32 $0xF7A, s1;
	s8 =	simm.s32 @!p0 $0x1BF5;
	p2 =	por !p2, p0  }
0x20: {  	[sflag:s8] =	ssyncset.s32 @!p0 $0xFFFFF086;
	s6 =	sadd.s32 @!p0 s3, s7;
	s7 =	simm.s32 @!p0 $0x108  }
0x21: {  	s3 =	sadd.s32 s3, s9;
	s6 =	sadd.s32 @!p0 $0x88, s6;
	s7 =	simm.s32 @p2 $0x1082  }
0x22: {  	[simem:s7], [sflag:s8] =	dma.local @!p0 [hbm:s6], $0xF7A  }
0x23: {  	s9 =	sor.u32 $0xD0000000, s2;
	s6 =	simm.s32 $0x108;
	_ =	swait.ge @!p0 [sflag:s8], $0x0  }
0x24: {  	s3 =	sadd.s32 $0x88, s3;
	s6 =	simm.s32 @!p1 $0x1082;
	[sflag:s4] =	ssyncset.s32 $0xFFFFF086  }
0x25: {  	[simem:s6], [sflag:s4] =	dma.local [hbm:s3], $0xF7A  }
0x26: {  	[smem:$0x3F9A] =	sst s1;
	(tag) =	ssettag s2;
	_ =	strace s9  }
0x27: {  	s1 =	sld [smem:$0x3FAA]  }
0x28: {  	s2 =	sld [smem:$0x3FAB]  }
0x29: {  	s4 =	sld [smem:$0x3FAD]  }
0x2a: {  	p0 =	seq.s32 s5, $0x0;
	s5 =	sld [smem:$0x3FAE]  }
0x2b: {  	s6 =	sld [smem:$0x3FAF]  }
0x2c: {  	s7 =	sld [smem:$0x3FB0]  }
0x2d: {  	s3 =	simm.s32 $0x108;
	s8 =	sld [smem:$0x3FB1]  }
0x2e: {  	s3 =	simm.s32 @!p0 $0x1082;
	s9 =	sld [smem:$0x3FB2]  }
0x2f: {  	lr =	sadd.s32 s0, s3;
	s0 =	sld [smem:$0x3FA9]  }
0x30: {  	s3 =	sld [smem:$0x3FAC]  }
0x31: {  	[smem:$0x3FB5] =	sst s10  }
0x32: {  	s10 =	sld [smem:$0x3FB3];
	_ =	sdelay $0x3  }
0x33: {  	p0 =	seq.s32 s10, $0x1;
	s10 =	sld [smem:$0x3FB5];
	_ =	sdelay $0x3  }
0x34: {  	[smem:$0x3FB5] =	sst s10  }
0x35: {  	s10 =	sld [smem:$0x3FB4];
	_ =	sdelay $0x3  }
0x36: {  	p1 =	seq.s32 s10, $0x1;
	s10 =	sld [smem:$0x3FB5];
	_ =	sdelay $0x3  }
0x37: {  	[smem:$0x3FB5] =	sst s10  }
0x38: {  	s10 =	sld [smem:$0x3FB6]  }
0x39: {  	_ = 	snop;
	(pc) =	sbr.ind lr, $3  }
0x3a: {  	_ = 	snop  }
0x3b: {  	_ = 	snop  }
0x3c: {  	p2 =	seq.s32 s10, $0x1;
	s10 =	sld [smem:$0x3FB5]  }
0x3d: {  	_ =	shalt  }
0x3e: {  	_ =	shalt  }
0x3f: {  	_ =	shalt  }
0x40: {  	_ =	shalt  }
0x41: {  	_ =	shalt  }
0x42: {  	_ =	shalt  }
0x43: {  	_ =	shalt  }
0x44: {  	_ =	shalt  }
0x45: {  	_ =	shalt  }
0x46: {  	_ =	shalt  }
0x47: {  	_ =	shalt  }
0x48: {  	_ =	shalt  }
0x49: {  	_ =	shalt  }
0x4a: {  	_ =	shalt  }
0x4b: {  	_ =	shalt  }
0x4c: {  	_ =	shalt  }
0x4d: {  	_ =	shalt  }
0x4e: {  	_ =	shalt  }
0x4f: {  	_ =	shalt  }
0x50: {  	_ =	shalt  }
0x51: {  	_ =	shalt  }
0x52: {  	_ =	shalt  }
0x53: {  	_ =	shalt  }
0x54: {  	_ =	shalt  }
0x55: {  	_ =	shalt  }
0x56: {  	_ =	shalt  }
0x57: {  	_ =	shalt  }
0x58: {  	_ =	shalt  }
0x59: {  	_ =	shalt  }
0x5a: {  	_ =	shalt  }
0x5b: {  	_ =	shalt  }
0x5c: {  	_ =	shalt  }
0x5d: {  	_ =	shalt  }
0x5e: {  	_ =	shalt  }
0x5f: {  	_ =	shalt  }
0x60: {  	_ =	shalt  }
0x61: {  	_ =	shalt  }
0x62: {  	_ =	shalt  }
0x63: {  	_ =	shalt  }
0x64: {  	_ =	shalt  }
0x65: {  	_ =	shalt  }
0x66: {  	_ =	shalt  }
0x67: {  	_ =	shalt  }
0x68: {  	_ =	shalt  }
0x69: {  	_ =	shalt  }
0x6a: {  	_ =	shalt  }
0x6b: {  	_ =	shalt  }
0x6c: {  	_ =	shalt  }
0x6d: {  	_ =	shalt  }
0x6e: {  	_ =	shalt  }
0x6f: {  	_ =	shalt  }
0x70: {  	_ =	shalt  }
0x71: {  	_ =	shalt  }
0x72: {  	_ =	shalt  }
0x73: {  	_ =	shalt  }
0x74: {  	_ =	shalt  }
0x75: {  	_ =	shalt  }
0x76: {  	_ =	shalt  }
0x77: {  	_ =	shalt  }
0x78: {  	_ =	shalt  }
0x79: {  	_ =	shalt  }
0x7a: {  	_ =	shalt  }
0x7b: {  	_ =	shalt  }
0x7c: {  	_ =	shalt  }
0x7d: {  	_ =	shalt  }
0x7e: {  	_ =	shalt  }
0x7f: {  	_ =	shalt  }
0x80: {  	_ =	shalt  }
0x81: {  	_ =	shalt  }
0x82: {  	_ =	shalt  }
0x83: {  	_ =	shalt  }
0x84: {  	_ =	shalt  }
0x85: {  	_ =	shalt  }
0x86: {  	_ =	shalt  }
0x87: {  	_ =	shalt  }
.Lfunc_end0:
.L_simem_size_0:
called_computation_lowered:
.L_overlay_start_0:
0x88: {  	s2 =	sld [smem:$0x3FD9]  }
0x89: {  	s3 =	sld [smem:$0x3FFE];
	_ =	sdelay $0x1  }
0x8a: {  	s1 =	srdreg.scid  }
0x8b: {  	s0 =	sand.u32 $0x1, s1  }
0x8c: {  	s16 =	sshll.u32 s0, $0xA;
	s2 =	sadd.s32 s3, s2  }
0x8d: {  	s2 =	sadd.s32 s2, s16  }
0x8e: {  	[smem:$0x3FC1] =	sst s2  }
0x8f: {  	_ = 	snop  }
0x90: {  	(tm) =	ssettm $0x1  }
0x91: {  	s17 =	sld [smem:$0x3FFB];
	_ =	sdelay $0x3  }
0x92: {  	_ =	strace s17  }
0x93: {  	s2 =	sld [smem:$0x3FFC];
	_ =	sdelay $0x3  }
0x94: {  	_ =	strace s2  }
0x95: {  	s2 =	sld [smem:$0x3FFD];
	_ =	sdelay $0x3  }
0x96: {  	_ =	strace s2  }
0x97: {  	_ =	strace $0x8FFFFFFF  }
0x98: {  	s18 =	sld [smem:$0x3FDB];
	_ =	sdelay $0x1  }
0x99: {  	s19 =	simm.s32 $_scs_section_size  }
0x9a: {  	s4 =	simm.s32 $_size__tile_overlayer_lowered;
	s5 =	simm.s32 $_tile_overlayer_lowered  }
0x9b: {  	s22 =	simm.s32 $0x1BFF;
	s21 =	sshll.u32 s5, $0x1;
	s2 =	sadd.s32 s19, s18  }
0x9c: {  	s6 =	simm.s32 $0x0;
	s20 =	sshll.u32 s4, $0x1;
	s4 =	sadd.s32 s21, s2  }
0x9d: {  	[timem:s6], [sflag:s22] =	dma.local [hbm:s4], s20  }
0x9e: {  	_ =	swait.ge [sflag:s22], s20  }
0x9f: {  	s3 =	ssub.s32 $0x0, s20;
	[sflag:s22] =	ssyncset.done $0x0  }
0xa0: {  	[sflag:s22] =	ssyncadd.s32 s3;
	_ =	sdelay $0x1  }
0xa1: {  	s23 =	simm.s32 $0x1B8B  }
0xa2: {  	_ =	swait.ge [sflag:s23], $0x1  }
0xa3: {  	[sflag:s23] =	ssyncset.done $0x0  }
0xa4: {  	s25 =	simm.s32 $0x1B8E;
	s24 =	sld [smem:$0x3FFE];
	[sflag:s23] =	ssyncadd.s32 $0xFFFFFFFF  }
0xa5: {  	s26 =	simm.s32 $execute0_lowered;
	[smem:$0x3FD2] =	sst s25  }
0xa6: {  	s4 =	sshll.u32 s26, $0x1;
	_ =	strace $0x80000046;
	[dreg:$0x1] =	wrdreg $0xFFFFFFFF  }
0xa7: {  	s28 =	simm.s32 $_size_execute0_lowered;
	s2 =	sadd.s32 s2, s4;
	[dreg:$0x0] =	wrdreg $0x0  }
0xa8: {  	s4 =	sshll.u32 s28, $0x1;
	[dreg:$0x2] =	wrdreg s2  }
0xa9: {  	[dreg:$0x3] =	wrdreg s4  }
0xaa: {  	[dreg:$0x4] =	wrdreg $0xC0  }
0xab: {  	_ =	task [dreg:s6], $0x5FFFF  }
0xac: {  	[dreg:$0x1] =	wrdreg $0xFFFFFFFF  }
0xad: {  	[dreg:$0x0] =	wrdreg $0x60  }
0xae: {  	[dreg:$0x2] =	wrdreg s24  }
0xaf: {  	[dreg:$0x3] =	wrdreg $0x76800  }
0xb0: {  	[dreg:$0x4] =	wrdreg $0x78F80  }
0xb1: {  	[dreg:$0x5] =	wrdreg $0x9  }
0xb2: {  	_ =	task.clear_ibuf [dreg:s6], $0x6FFFF;
	_ =	strace $0x90000046  }
0xb3: {  	s29 =	simm.s32 $0x9;
	_ =	strace $0x80000048  }
0xb4: {  	_ =	swait.ge [sflag:s29], $0x1  }
0xb5: {  	[sflag:s29] =	ssyncadd.s32 $0xFFFFFFFF  }
0xb6: {  	_ =	strace $0x90000048  }
0xb7: {  	_ =	sfence  }
0xb8: {  	s30 =	sld [smem:$0x0];
	_ =	sdelay $0x2  }
0xb9: {  	s31 =	sshll.u32 s1, $0xD;
	s1 =	sshrl.u32 s1, $0x2  }
0xba: {  	s3 =	sand.u32 $0x4000, s31;
	s1 =	sadd.s32 s1, s30  }
0xbb: {  	s0 =	sor.u32 s3, s0;
	s1 =	sshll.u32 s1, $0x11  }
0xbc: {  	s0 =	sor.u32 s1, s0  }
0xbd: {  	s0 =	sadd.s32 $0x8F2B, s0  }
0xbe: {  	[sflag:s0] =	ssyncadd.remote.s32 $0x1  }
0xbf: {  	_ =	sfence.sel $0xFFFF  }
0xc0: {  	[dreg:$0x0] =	wrdreg $0xFFFFFFFF;
	(pc) =	sbr.abs _section_cstart, $3  }
0xc1: {  	[dreg:$0x1] =	wrdreg $0xFFFFFFFF  }
0xc2: {  	_ =	task.clear_ibuf [dreg:s6], $0x2FFFF;
	_ =	strace $0x9FFFFFFF  }
0xc3: {  	(tm) =	ssettm $0x7FFFFFFF  }
tec
execute0_lowered:
.L_overlay_start_1:
0x0: {  	(tag) =	ssettag $0x1  }
0x1: {  	s4 =	rddreg [dreg:$0x0]  }
0x2: {  	s0 =	srdreg.scid;
	s1 =	rddreg [dreg:$0x1]  }
0x3: {  	s2 =	rddreg [dreg:$0x2];
	s10 =	stileid.u32;
	s3 =	simm.s32 $0x0  }
0x4: {  	s11 =	simm.s32 $0x2;
	s12 =	simm.s32 $0x2710;
	s5 =	sand.u32 $0x1, s0  }
0x5: {  	s13 =	simm.s32 $0x4F00;
	s0 =	rddreg [dreg:$0x3];
	s6 =	sshll.u32 s5, $0x4  }
0x6: {  	s14 =	simm.s32 $0x0;
	[smem:$0x7FF] =	sst s3;
	s7 =	sor.u32 s10, s6  }
0x7: {  	p0 =	sne.s32 s10, $0x0;
	s5 =	ssub.s32 $0x2, s5;
	s7 =	smul.u32 $0x4E2, s7  }
0x8: {  	_ =	strace $0x80000047;
	s8 =	sshrl.u32 s5, $0x1;
	s9 =	sadd.s32 s6, s4  }
0x9: {  	s10 =	simm.s32 $0x1;
	s8 =	ssub.s32 s5, s8;
	s7 =	sadd.s32 s7, s4  }
0xa: {  	s6 =	sadd.s32 $0x15A00, s9;
	s8 =	smax.u32 s8, $0x1;
	s4 =	sadd.s32 $0xBC00, s7  }
0xb: {  	v0 =	vimm.f32 $0.0e+00;
	v1 =	vimm.f32 $1.000000000e+00;
	s5 =	sadd.s32 $0x1E00, s7;
	s7 =	sadd.s32 $0x16400, s9;
	s9 =	simm.s32 $0x2780  }
.LBB2_1:
0xc: {  	[tilespmem:s3], [sflag:$0x1] =	stream.linear.gather [hbm4b:s4+s3], $0x2710, $0x38;
	[tilespmem:$0x7B70] =	vst v63  }
0xd: {  	s15 =	simm.s32 $0x4F40  }
0xe: {  	[tilespmem:s9], [sflag:$0x2] =	stream.linear.gather [hbm4b:s5+s3], $0x2710, $0x38;
	[tilespmem:$0x7B70] =	vst v63  }
0xf: {  	[tilespmem:s15+$0xFFFFFFC0] =	vst v0  }
0x10: {  	[tilespmem:s15+$0x30] =	vst v0  }
0x11: {  	[tilespmem:s15+$0x20] =	vst v0  }
0x12: {  	[tilespmem:s15+$0x10] =	vst v0  }
0x13: {  	[tilespmem:s15+$0x0] =	vst v0  }
0x14: {  	[tilespmem:s15+$0xFFFFFFF0] =	vst v0  }
0x15: {  	s16 =	simm.s32 $0x0;
	[tilespmem:s15+$0xFFFFFFE0] =	vst v0  }
.LBB2_2:
0x16: {  	s16 =	sadd.s32 $0x8, s16;
	[tilespmem:s15+$0xFFFFFFD0] =	vst v0;
	s15 =	sadd.s32 $0x80, s15  }
0x17: {  	[tilespmem:s15+$0xFFFFFFC0] =	vst v0;
	p1 =	slt.u32 s16, $0x268  }
0x18: {  	[tilespmem:s15+$0x30] =	vst v0  }
.Ltmp0:
0x19: {  	[tilespmem:s15+$0x20] =	vst v0;
	(pc) =	sbr.rel @p1 .LBB2_2-.Ltmp0, $4  }
0x1a: {  	[tilespmem:s15+$0x10] =	vst v0  }
0x1b: {  	[tilespmem:s15+$0x0] =	vst v0  }
0x1c: {  	[tilespmem:s15+$0xFFFFFFF0] =	vst v0  }
0x1d: {  	[tilespmem:s15+$0xFFFFFFE0] =	vst v0  }
0x1e: {  	[tilespmem:s15+$0xFFFFFFD0] =	vst v0  }
0x1f: {  	s15 =	simm.s32 @!p0 $0x4F00;
	s16 =	simm.s32 @!p0 $0x3;
	[tilespmem:$0x7600] =	vst v0  }
0x20: {  	[spmem:s1] =	stream.linear.scatter @!p0 [tilespmem:s15], [sflag:$0x3], $0x2780, $0x38;
	[tilespmem:$0x7B70] =	vst v63  }
0x21: {  	_ =	swait.ge @!p0 [sflag:s16], $0x2780  }
0x22: {  	[sflag:s16] =	ssyncset.done @!p0 $0x0  }
0x23: {  	[sflag:s16] =	ssyncadd.s32 @!p0 $0xFFFFD880  }
0x24: {  	[spmem:s2] =	stream.linear.scatter @!p0 [tilespmem:s15], [sflag:$0x3], $0x2780, $0x38;
	[tilespmem:$0x7B70] =	vst v63  }
0x25: {  	_ =	swait.ge @!p0 [sflag:s16], $0x2780  }
0x26: {  	[sflag:s16] =	ssyncset.done @!p0 $0x0  }
0x27: {  	s15 =	simm.s32 $0x4F40;
	[sflag:s16] =	ssyncadd.s32 @!p0 $0xFFFFD880  }
0x28: {  	[tilespmem:s15+$0xFFFFFFC0] =	vst v1  }
0x29: {  	[tilespmem:s15+$0x30] =	vst v1  }
0x2a: {  	[tilespmem:s15+$0x20] =	vst v1  }
0x2b: {  	[tilespmem:s15+$0x10] =	vst v1  }
0x2c: {  	[tilespmem:s15+$0x0] =	vst v1  }
0x2d: {  	[tilespmem:s15+$0xFFFFFFF0] =	vst v1  }
0x2e: {  	s16 =	simm.s32 $0x0;
	[tilespmem:s15+$0xFFFFFFE0] =	vst v1  }
.LBB2_4:
0x2f: {  	s16 =	sadd.s32 $0x8, s16;
	[tilespmem:s15+$0xFFFFFFD0] =	vst v1;
	s15 =	sadd.s32 $0x80, s15  }
0x30: {  	[tilespmem:s15+$0xFFFFFFC0] =	vst v1;
	p1 =	slt.u32 s16, $0x268  }
0x31: {  	[tilespmem:s15+$0x30] =	vst v1  }
.Ltmp1:
0x32: {  	[tilespmem:s15+$0x20] =	vst v1;
	(pc) =	sbr.rel @p1 .LBB2_4-.Ltmp1, $4  }
0x33: {  	[tilespmem:s15+$0x10] =	vst v1  }
0x34: {  	[tilespmem:s15+$0x0] =	vst v1  }
0x35: {  	[tilespmem:s15+$0xFFFFFFF0] =	vst v1  }
0x36: {  	[tilespmem:s15+$0xFFFFFFE0] =	vst v1  }
0x37: {  	[tilespmem:s15+$0xFFFFFFD0] =	vst v1  }
0x38: {  	[tilespmem:$0x7600] =	vst v1  }
0x39: {  	[bflag:$0x0] =	sbarrier.arrive $0xFFFF  }
0x3a: {  	_ =	swait.ge [sflag:s10], $0x2710  }
0x3b: {  	[sflag:s10] =	ssyncset.done $0x0  }
0x3c: {  	[sflag:s10] =	ssyncadd.s32 $0xFFFFD8F0  }
0x3d: {  	_ =	swait.ge [sflag:s11], $0x2710  }
0x3e: {  	[sflag:s11] =	ssyncset.done $0x0  }
0x3f: {  	[sflag:s11] =	ssyncadd.s32 $0xFFFFD8F0  }
0x40: {  	[spmem:s1] =	stream.indirect.scatter.add.f32 [tilespmem:s13], [sflag:$0x1], $0x1, s3, s12, $0xb8;
	[tilespmem:$0x7B70] =	vst v63  }
0x41: {  	_ = 	snop  }
0x42: {  	[spmem:s2] =	stream.indirect.scatter.add.f32 [tilespmem:s13], [sflag:$0x2], $0x1, s9, s12, $0xb8;
	[tilespmem:$0x7B70] =	vst v63  }
0x43: {  	_ =	swait.ge [sflag:s10], $0x2710  }
0x44: {  	[sflag:s10] =	ssyncset.done $0x0  }
0x45: {  	[sflag:s10] =	ssyncadd.s32 $0xFFFFD8F0  }
0x46: {  	_ =	swait.ge [sflag:s11], $0x2710  }
0x47: {  	s15 =	sshrl.u32 @!p0 s1, $0x3;
	[sflag:s11] =	ssyncset.done $0x0  }
0x48: {  	s16 =	simm.s32 @!p0 $0x1;
	s17 =	simm.s32 @!p0 $0x20;
	[sflag:s11] =	ssyncadd.s32 $0xFFFFD8F0  }
0x49: {  	s18 =	simm.s32 @!p0 $0x10;
	s19 =	simm.s32 @!p0 $0x1C03;
	[bflag:$0x0] =	sbarrier.arrive $0xFFFF  }
0x4a: {  	[hbm:s6@s17], [sflag:s19] =	dma.strided @!p0 [spmem:s15@s18], $0x4F0, s16, $0x10   }
0x4b: {  	s15 =	simm.s32 @!p0 $0x3  }
0x4c: {  	s14 =	sadd.s32 $0x1, s14;
	_ =	swait.ge @!p0 [sflag:s15], $0x4F0  }
0x4d: {  	p1 =	sne.s32 s14, s8;
	[sflag:s15] =	ssyncset.done @!p0 $0x0  }
.Ltmp2:
0x4e: {  	s20 =	sshrl.u32 @!p0 s2, $0x3;
	[sflag:s15] =	ssyncadd.s32 @!p0 $0xFFFFFB10;
	(pc) =	sbr.rel @p1 .LBB2_1-.Ltmp2, $4  }
0x4f: {  	[hbm:s7@s17], [sflag:s19] =	dma.strided @!p0 [spmem:s20@s18], $0x4F0, s16, $0x10   }
0x50: {  	_ =	swait.ge @!p0 [sflag:s15], $0x4F0  }
0x51: {  	[sflag:s15] =	ssyncset.done @!p0 $0x0  }
0x52: {  	[sflag:s15] =	ssyncadd.s32 @!p0 $0xFFFFFB10  }
0x53: {  	_ =	sfence.sel $0x180000  }
0x54: {  	[bflag:$0x0] =	sbarrier.arrive $0xFFFF  }
0x55: {  	_ =	strace $0x90000047  }
0x56: {  	s0 =	sadd.s32 @!p0 $0x100000, s0;
	[bflag:$0x2] =	sbarrier.arrive $0xFFFF  }
0x57: {  	[sflag:s0] =	ssyncadd.tile.s32 @!p0 $0x1;
	_ =	shalt  }
.Lfunc_end2:
_tile_overlayer_lowered:
.L_overlay_start_2:
0x58: {  	(tag) =	ssettag $0x2  }
0x59: {  	s0 =	rddreg [dreg:$0x0];
	s2 =	stileid.u32  }
0x5a: {  	s1 =	rddreg [dreg:$0x1];
	p0 =	sne.s32 s2, $0x0  }
0x5b: {  	s3 =	rddreg [dreg:$0x2];
	[bflag:$0x3] =	sbarrier.arrive $0xFFFF;
	s2 =	simm.s32 @!p0 $0x1C03  }
0x5c: {  	[timem:s3], [sflag:s2] =	dma.local @!p0 [hbm:s0], s1  }
0x5d: {  	s0 =	simm.s32 @!p0 $0x3  }
0x5e: {  	_ =	swait.ge @!p0 [sflag:s0], s1  }
0x5f: {  	s1 =	ssub.s32 @!p0 $0x0, s1;
	[sflag:s0] =	ssyncset.done @!p0 $0x0  }
0x60: {  	[sflag:s0] =	ssyncadd.s32 @!p0 s1  }
0x61: {  	[bflag:$0x3] =	sbarrier.arrive $0xFFFF  }
0x62: {  	_ =	shalt  }

// kernel: kernel.9.cloned.1.call-start
scs
__scs_entry_jumppad:
0x0: {  	(pc) =	sbr.rel $0x88, $3  }
0x1: {  	(tag) =	ssettag $0x0;
	lr =	simm.s32 $0x1  }
0x2: {  	[smem:$0x3F9A] =	sst lr;
	_ =	strace $0xD0000000  }
0x3: {  	_ = 	snop  }
0x4: {  	_ = 	snop  }
0x5: {  	_ = 	snop  }
0x6: {  	_ = 	snop  }
0x7: {  	_ = 	snop  }
__scs_overlays_trampoline_lowered:
0x8: {  	[smem:$0x3FA9] =	sst s0  }
0x9: {  	[smem:$0x3FAA] =	sst s1  }
0xa: {  	[smem:$0x3FAB] =	sst s2  }
0xb: {  	[smem:$0x3FAC] =	sst s3  }
0xc: {  	[smem:$0x3FAD] =	sst s4  }
0xd: {  	[smem:$0x3FAE] =	sst s5  }
0xe: {  	[smem:$0x3FAF] =	sst s6  }
0xf: {  	[smem:$0x3FB0] =	sst s7  }
0x10: {  	[smem:$0x3FB1] =	sst s8  }
0x11: {  	[smem:$0x3FB2] =	sst s9;
	s0 =	simm.s32 @!p0 $0x0  }
0x12: {  	s1 =	sld [smem:$0x3F98];
	s0 =	simm.s32 @p0 $0x1  }
0x13: {  	[smem:$0x3FB3] =	sst s0;
	s0 =	simm.s32 @!p1 $0x0  }
0x14: {  	s2 =	sld [smem:$0x3F97];
	s0 =	simm.s32 @p1 $0x1  }
0x15: {  	[smem:$0x3FB4] =	sst s0;
	s0 =	simm.s32 @!p2 $0x0  }
0x16: {  	s3 =	sld [smem:$0x3FDB];
	s0 =	simm.s32 @p2 $0x1  }
0x17: {  	s4 =	simm.s32 $0x1BF5;
	[smem:$0x3FB6] =	sst s0  }
0x18: {  	s0 =	sld [smem:$0x3F99];
	_ =	swait.ge [sflag:s4], $0x0  }
0x19: {  	s7 =	sld [smem:$0x3F9A]  }
0x1a: {  	s8 =	sadd.s32 $0xFFFFE003, lr  }
0x1b: {  	s9 =	sadd.s32 $0xFFFFFEF7, lr;
	s5 =	simm.s32 $0xFFFFFFFF;
	p2 =	slt.u32 s8, $0xFFFFF086  }
0x1c: {  	p1 =	slt.u32 s9, $0xF7A;
	s5 =	simm.s32 @!p2 $0x0  }
0x1d: {  	s5 =	simm.s32 @p1 $0x1;
	p0 =	seq.s32 s7, s2  }
0x1e: {  	s7 =	smul.u32 @!p0 $0xF7A, s2;
	p2 =	seq.s32 @!p0 s5, $0x0  }
0x1f: {  	s9 =	smul.u32 $0xF7A, s1;
	s8 =	simm.s32 @!p0 $0x1BF5;
	p2 =	por !p2, p0  }
0x20: {  	[sflag:s8] =	ssyncset.s32 @!p0 $0xFFFFF086;
	s6 =	sadd.s32 @!p0 s3, s7;
	s7 =	simm.s32 @!p0 $0x108  }
0x21: {  	s3 =	sadd.s32 s3, s9;
	s6 =	sadd.s32 @!p0 $0x88, s6;
	s7 =	simm.s32 @p2 $0x1082  }
0x22: {  	[simem:s7], [sflag:s8] =	dma.local @!p0 [hbm:s6], $0xF7A  }
0x23: {  	s9 =	sor.u32 $0xD0000000, s2;
	s6 =	simm.s32 $0x108;
	_ =	swait.ge @!p0 [sflag:s8], $0x0  }
0x24: {  	s3 =	sadd.s32 $0x88, s3;
	s6 =	simm.s32 @!p1 $0x1082;
	[sflag:s4] =	ssyncset.s32 $0xFFFFF086  }
0x25: {  	[simem:s6], [sflag:s4] =	dma.local [hbm:s3], $0xF7A  }
0x26: {  	[smem:$0x3F9A] =	sst s1;
	(tag) =	ssettag s2;
	_ =	strace s9  }
0x27: {  	s1 =	sld [smem:$0x3FAA]  }
0x28: {  	s2 =	sld [smem:$0x3FAB]  }
0x29: {  	s4 =	sld [smem:$0x3FAD]  }
0x2a: {  	p0 =	seq.s32 s5, $0x0;
	s5 =	sld [smem:$0x3FAE]  }
0x2b: {  	s6 =	sld [smem:$0x3FAF]  }
0x2c: {  	s7 =	sld [smem:$0x3FB0]  }
0x2d: {  	s3 =	simm.s32 $0x108;
	s8 =	sld [smem:$0x3FB1]  }
0x2e: {  	s3 =	simm.s32 @!p0 $0x1082;
	s9 =	sld [smem:$0x3FB2]  }
0x2f: {  	lr =	sadd.s32 s0, s3;
	s0 =	sld [smem:$0x3FA9]  }
0x30: {  	s3 =	sld [smem:$0x3FAC]  }
0x31: {  	[smem:$0x3FB5] =	sst s10  }
0x32: {  	s10 =	sld [smem:$0x3FB3];
	_ =	sdelay $0x3  }
0x33: {  	p0 =	seq.s32 s10, $0x1;
	s10 =	sld [smem:$0x3FB5];
	_ =	sdelay $0x3  }
0x34: {  	[smem:$0x3FB5] =	sst s10  }
0x35: {  	s10 =	sld [smem:$0x3FB4];
	_ =	sdelay $0x3  }
0x36: {  	p1 =	seq.s32 s10, $0x1;
	s10 =	sld [smem:$0x3FB5];
	_ =	sdelay $0x3  }
0x37: {  	[smem:$0x3FB5] =	sst s10  }
0x38: {  	s10 =	sld [smem:$0x3FB6]  }
0x39: {  	_ = 	snop;
	(pc) =	sbr.ind lr, $3  }
0x3a: {  	_ = 	snop  }
0x3b: {  	_ = 	snop  }
0x3c: {  	p2 =	seq.s32 s10, $0x1;
	s10 =	sld [smem:$0x3FB5]  }
0x3d: {  	_ =	shalt  }
0x3e: {  	_ =	shalt  }
0x3f: {  	_ =	shalt  }
0x40: {  	_ =	shalt  }
0x41: {  	_ =	shalt  }
0x42: {  	_ =	shalt  }
0x43: {  	_ =	shalt  }
0x44: {  	_ =	shalt  }
0x45: {  	_ =	shalt  }
0x46: {  	_ =	shalt  }
0x47: {  	_ =	shalt  }
0x48: {  	_ =	shalt  }
0x49: {  	_ =	shalt  }
0x4a: {  	_ =	shalt  }
0x4b: {  	_ =	shalt  }
0x4c: {  	_ =	shalt  }
0x4d: {  	_ =	shalt  }
0x4e: {  	_ =	shalt  }
0x4f: {  	_ =	shalt  }
0x50: {  	_ =	shalt  }
0x51: {  	_ =	shalt  }
0x52: {  	_ =	shalt  }
0x53: {  	_ =	shalt  }
0x54: {  	_ =	shalt  }
0x55: {  	_ =	shalt  }
0x56: {  	_ =	shalt  }
0x57: {  	_ =	shalt  }
0x58: {  	_ =	shalt  }
0x59: {  	_ =	shalt  }
0x5a: {  	_ =	shalt  }
0x5b: {  	_ =	shalt  }
0x5c: {  	_ =	shalt  }
0x5d: {  	_ =	shalt  }
0x5e: {  	_ =	shalt  }
0x5f: {  	_ =	shalt  }
0x60: {  	_ =	shalt  }
0x61: {  	_ =	shalt  }
0x62: {  	_ =	shalt  }
0x63: {  	_ =	shalt  }
0x64: {  	_ =	shalt  }
0x65: {  	_ =	shalt  }
0x66: {  	_ =	shalt  }
0x67: {  	_ =	shalt  }
0x68: {  	_ =	shalt  }
0x69: {  	_ =	shalt  }
0x6a: {  	_ =	shalt  }
0x6b: {  	_ =	shalt  }
0x6c: {  	_ =	shalt  }
0x6d: {  	_ =	shalt  }
0x6e: {  	_ =	shalt  }
0x6f: {  	_ =	shalt  }
0x70: {  	_ =	shalt  }
0x71: {  	_ =	shalt  }
0x72: {  	_ =	shalt  }
0x73: {  	_ =	shalt  }
0x74: {  	_ =	shalt  }
0x75: {  	_ =	shalt  }
0x76: {  	_ =	shalt  }
0x77: {  	_ =	shalt  }
0x78: {  	_ =	shalt  }
0x79: {  	_ =	shalt  }
0x7a: {  	_ =	shalt  }
0x7b: {  	_ =	shalt  }
0x7c: {  	_ =	shalt  }
0x7d: {  	_ =	shalt  }
0x7e: {  	_ =	shalt  }
0x7f: {  	_ =	shalt  }
0x80: {  	_ =	shalt  }
0x81: {  	_ =	shalt  }
0x82: {  	_ =	shalt  }
0x83: {  	_ =	shalt  }
0x84: {  	_ =	shalt  }
0x85: {  	_ =	shalt  }
0x86: {  	_ =	shalt  }
0x87: {  	_ =	shalt  }
.Lfunc_end0:
.L_simem_size_0:
called_computation.1_lowered:
.L_overlay_start_0:
0x88: {  	s2 =	sld [smem:$0x3FD9]  }
0x89: {  	s3 =	sld [smem:$0x3FFE];
	_ =	sdelay $0x1  }
0x8a: {  	s1 =	srdreg.scid  }
0x8b: {  	s0 =	sand.u32 $0x1, s1  }
0x8c: {  	s14 =	sshll.u32 s0, $0xA;
	s2 =	sadd.s32 s3, s2  }
0x8d: {  	s2 =	sadd.s32 s2, s14  }
0x8e: {  	[smem:$0x3FC1] =	sst s2  }
0x8f: {  	_ = 	snop  }
0x90: {  	s2 =	sld [smem:$0x3FD0];
	_ =	sdelay $0x2  }
0x91: {  	s15 =	simm.s32 $0xA;
	s4 =	simm.s32 $0x10  }
0x92: {  	[smem:s4], [sflag:s15] =	dma.local [hbm:s2], $0x1  }
0x93: {  	_ =	swait.eq [sflag:s15], $0x1  }
0x94: {  	[sflag:s15] =	ssyncset.done $0x0  }
0x95: {  	[sflag:s15] =	ssyncadd.s32 $0xFFFFFFFF  }
0x96: {  	s16 =	sld [smem:$0x10];
	(tm) =	ssettm $0x1  }
0x97: {  	s17 =	sld [smem:$0x3FFB];
	_ =	sdelay $0x3  }
0x98: {  	_ =	strace s17  }
0x99: {  	s3 =	sld [smem:$0x3FFC];
	_ =	sdelay $0x3  }
0x9a: {  	_ =	strace s3  }
0x9b: {  	s3 =	sld [smem:$0x3FFD];
	_ =	sdelay $0x3  }
0x9c: {  	_ =	strace s3  }
0x9d: {  	_ =	strace $0x8FFFFFFF  }
0x9e: {  	s18 =	sld [smem:$0x3FDB];
	_ =	sdelay $0x1  }
0x9f: {  	s19 =	simm.s32 $_scs_section_size  }
0xa0: {  	s5 =	simm.s32 $_size__tile_overlayer_lowered;
	s6 =	simm.s32 $_tile_overlayer_lowered  }
0xa1: {  	s22 =	simm.s32 $0x1BFF;
	s21 =	sshll.u32 s6, $0x1;
	s3 =	sadd.s32 s19, s18  }
0xa2: {  	s7 =	simm.s32 $0x0;
	s20 =	sshll.u32 s5, $0x1;
	s5 =	sadd.s32 s21, s3  }
0xa3: {  	[timem:s7], [sflag:s22] =	dma.local [hbm:s5], s20  }
0xa4: {  	_ =	swait.ge [sflag:s22], s20  }
0xa5: {  	s4 =	ssub.s32 $0x0, s20;
	[sflag:s22] =	ssyncset.done $0x0  }
0xa6: {  	[sflag:s22] =	ssyncadd.s32 s4;
	_ =	sdelay $0x1  }
0xa7: {  	s23 =	simm.s32 $0x1B8B  }
0xa8: {  	_ =	swait.ge [sflag:s23], $0x1  }
0xa9: {  	[sflag:s23] =	ssyncset.done $0x0  }
0xaa: {  	s25 =	simm.s32 $0x1B8E;
	s24 =	sld [smem:$0x3FFE];
	[sflag:s23] =	ssyncadd.s32 $0xFFFFFFFF  }
0xab: {  	s26 =	simm.s32 $execute0_lowered;
	[smem:$0x3FD2] =	sst s25  }
0xac: {  	s5 =	sshll.u32 s26, $0x1;
	_ =	strace $0x80000049;
	[dreg:$0x1] =	wrdreg $0xFFFFFFFF  }
0xad: {  	s28 =	simm.s32 $_size_execute0_lowered;
	s3 =	sadd.s32 s3, s5;
	[dreg:$0x0] =	wrdreg $0x0  }
0xae: {  	s5 =	sshll.u32 s28, $0x1;
	[dreg:$0x2] =	wrdreg s3  }
0xaf: {  	[dreg:$0x3] =	wrdreg s5  }
0xb0: {  	[dreg:$0x4] =	wrdreg $0xC0  }
0xb1: {  	_ =	task [dreg:s7], $0x5FFFF  }
0xb2: {  	[dreg:$0x1] =	wrdreg $0xFFFFFFFF  }
0xb3: {  	[dreg:$0x0] =	wrdreg $0x60  }
0xb4: {  	[dreg:$0x2] =	wrdreg s16  }
0xb5: {  	[dreg:$0x3] =	wrdreg s24  }
0xb6: {  	[dreg:$0x4] =	wrdreg $0x127880  }
0xb7: {  	[dreg:$0x5] =	wrdreg $0x125100  }
0xb8: {  	[dreg:$0x6] =	wrdreg $0x9  }
0xb9: {  	_ =	task.clear_ibuf [dreg:s7], $0x7FFFF;
	_ =	strace $0x90000049  }
0xba: {  	s29 =	simm.s32 $0x9;
	_ =	strace $0x8000004B  }
0xbb: {  	_ =	swait.ge [sflag:s29], $0x1  }
0xbc: {  	[sflag:s29] =	ssyncadd.s32 $0xFFFFFFFF  }
0xbd: {  	_ =	strace $0x9000004B  }
0xbe: {  	_ =	sfence  }
0xbf: {  	s30 =	sld [smem:$0x0];
	_ =	sdelay $0x2  }
0xc0: {  	s31 =	sshll.u32 s1, $0xD;
	s1 =	sshrl.u32 s1, $0x2  }
0xc1: {  	s3 =	sand.u32 $0x4000, s31;
	s1 =	sadd.s32 s1, s30  }
0xc2: {  	s0 =	sor.u32 s3, s0;
	s1 =	sshll.u32 s1, $0x11  }
0xc3: {  	s0 =	sor.u32 s1, s0  }
0xc4: {  	s0 =	sadd.s32 $0x8F2B, s0  }
0xc5: {  	[sflag:s0] =	ssyncadd.remote.s32 $0x1  }
0xc6: {  	_ =	sfence.sel $0xFFFF  }
0xc7: {  	[dreg:$0x0] =	wrdreg $0xFFFFFFFF;
	(pc) =	sbr.abs _section_cstart, $3  }
0xc8: {  	[dreg:$0x1] =	wrdreg $0xFFFFFFFF  }
0xc9: {  	_ =	task.clear_ibuf [dreg:s7], $0x2FFFF;
	_ =	strace $0x9FFFFFFF  }
0xca: {  	(tm) =	ssettm $0x7FFFFFFF  }
0xcb: {  	_ =	shalt  }
tec
execute0_lowered:
.L_overlay_start_1:
0x0: {  	(tag) =	ssettag $0x1  }
0x1: {  	s1 =	rddreg [dreg:$0x0]  }
0x2: {  	s0 =	rddreg [dreg:$0x1]  }
0x3: {  	s3 =	rddreg [dreg:$0x2]  }
0x4: {  	s13 =	rddreg [dreg:$0x3]  }
0x5: {  	s9 =	stileid.u32;
	s4 =	srdreg.scid;
	s5 =	simm.s32 $0x0  }
0x6: {  	s28 =	simm.s32 $0xB800;
	s29 =	simm.s32 $0x1;
	s30 =	simm.s32 $0x12410  }
0x7: {  	s31 =	simm.s32 $0x2;
	s2 =	smul.u32 $0x270, s9;
	s4 =	sand.u32 $0x1, s4  }
0x8: {  	s6 =	smul.u32 $0x278, s9;
	[smem:$0x7FF] =	sst s5;
	s7 =	sshll.u32 s4, $0x4  }
0x9: {  	s8 =	smul.u32 $0x2710, s4;
	_ =	strace $0x8000004A;
	s4 =	ssub.s32 $0x2, s4  }
0xa: {  	s7 =	sor.u32 s9, s7;
	s6 =	smin.u32 s6, $0x2498;
	s19 =	sshrl.u32 s2, $0x3  }
0xb: {  	s20 =	sshrl.u32 s4, $0x1;
	s2 =	sadd.s32 s2, s13;
	s13 =	simm.s32 $0x11F10  }
0xc: {  	s7 =	smul.u32 $0x500, s7;
	s8 =	sadd.s32 s8, s6;
	s12 =	sadd.s32 s19, s0  }
0xd: {  	s4 =	ssub.s32 s4, s20;
	s6 =	sshll.u32 s6, $0x6;
	[dreg:$0xa] =	wrdreg s2  }
0xe: {  	s19 =	simm.s32 $0x5;
	s20 =	simm.s32 $0x4;
	s8 =	sshll.u32 s8, $0x3  }
0xf: {  	s9 =	sadd.s32 s6, s3;
	s23 =	sadd.s32 $0x1E00, s12;
	s24 =	sadd.s32 $0x22E2, s12  }
0x10: {  	s18 =	smax.u32 s4, $0x1;
	s7 =	sadd.s32 s7, s0;
	[dreg:$0x8] =	wrdreg s23  }
0x11: {  	s0 =	sadd.s32 s8, s0;
	[dreg:$0x9] =	wrdreg s24;
	s21 =	sadd.s32 $0x2AE00, s7  }
0x12: {  	s10 =	sadd.s32 $0x3E00, s9;
	s22 =	sadd.s32 $0x20E00, s7;
	[dreg:$0x5] =	wrdreg s21  }
.Ltmp0:
0x13: {  	s7 =	sadd.s32 $0x16E00, s7;
	[dreg:$0x6] =	wrdreg s22;
	(pc) =	sbr.rel .LBB2_1-.Ltmp0, $4  }
0x14: {  	s11 =	sadd.s32 $0x7C00, s9;
	s25 =	sadd.s32 $0x34E00, s0;
	[dreg:$0x7] =	wrdreg s7  }
0x15: {  	s23 =	simm.s32 $0x100;
	s26 =	sadd.s32 $0x355C0, s0;
	[dreg:$0xb] =	wrdreg s25  }
0x16: {  	v1 =	vimm.s32 $0x0;
	vm0 =	vcmask $0x300;
	s17 =	sadd.s32 $0x35D80, s0;
	s0 =	simm.s32 $0x3;
	[dreg:$0xc] =	wrdreg s26  }
0x17: {  	v0 =	vimm.f32 $0.0e+00;
	v1 =	vsel vm0, $0x3, v1;
	s22 =	simm.s32 $0x7800;
	s26 =	simm.s32 $0xF800;
	s21 =	simm.s32 $0x0  }
.LBB2_22:
0x18: {  	_ =	swait.ge [sflag:s20], $0x4000  }
0x19: {  	[sflag:s20] =	ssyncset.done $0x0  }
0x1a: {  	s2 =	stileid.u32;
	[sflag:s20] =	ssyncadd.s32 $0xFFFFC000  }
0x1b: {  	s2 =	sshll.u32 s2, $0x6;
	[bflag:$0x0] =	sbarrier.arrive $0xFFFF  }
0x1c: {  	s4 =	sshrl.u32 s9, $0x3;
	s2 =	sor.u32 $0x1C05, s2;
	s6 =	rddreg [dreg:$0xb]  }
0x1d: {  	[hbm:s6], [sflag:s2] =	dma.local [spmem:s4], $0x7C0  }
0x1e: {  	_ =	swait.ge [sflag:s19], $0x7C0  }
0x1f: {  	[sflag:s19] =	ssyncset.done $0x0  }
0x20: {  	s16 =	sshrl.u32 s10, $0x3;
	s24 =	rddreg [dreg:$0xc];
	[sflag:s19] =	ssyncadd.s32 $0xFFFFF840  }
0x21: {  	[hbm:s24], [sflag:s2] =	dma.local [spmem:s16], $0x7C0  }
0x22: {  	s21 =	sadd.s32 $0x1, s21;
	_ =	swait.ge [sflag:s19], $0x7C0  }
0x23: {  	p0 =	sne.s32 s21, s18;
	[sflag:s19] =	ssyncset.done $0x0  }
.Ltmp1:
0x24: {  	s25 =	sshrl.u32 s11, $0x3;
	[sflag:s19] =	ssyncadd.s32 $0xFFFFF840;
	(pc) =	sbr.rel @!p0 .LBB2_23-.Ltmp1, $4  }
0x25: {  	[hbm:s17], [sflag:s2] =	dma.local [spmem:s25], $0x440  }
0x26: {  	_ =	swait.ge [sflag:s19], $0x440  }
0x27: {  	[sflag:s19] =	ssyncset.done $0x0  }
0x28: {  	s13 =	simm.s32 $0x11F10;
	[sflag:s19] =	ssyncadd.s32 $0xFFFFFBC0  }
.LBB2_1:
0x29: {  	s2 =	rddreg [dreg:$0x5]  }
0x2a: {  	[tilespmem:s5], [sflag:$0x5] =	stream.linear.gather [hbm4b:s2+s5], $0x2800, $0x38;
	[tilespmem:$0x1C3C8] =	vst v63  }
0x2b: {  	_ =	swait.ge [sflag:s19], $0x2800  }
0x2c: {  	[sflag:s19] =	ssyncset.done $0x0  }
0x2d: {  	s4 =	simm.s32 $0x2800;
	s16 =	rddreg [dreg:$0x6];
	[sflag:s19] =	ssyncadd.s32 $0xFFFFD800  }
0x2e: {  	[tilespmem:s4], [sflag:$0x5] =	stream.linear.gather [hbm4b:s16+s5], $0x2800, $0x38;
	[tilespmem:$0x1C3C8] =	vst v63  }
0x2f: {  	_ =	swait.ge [sflag:s19], $0x2800  }
0x30: {  	[sflag:s19] =	ssyncset.done $0x0  }
0x31: {  	s25 =	simm.s32 $0x5000;
	s24 =	rddreg [dreg:$0x7];
	[sflag:s19] =	ssyncadd.s32 $0xFFFFD800  }
0x32: {  	[tilespmem:s25], [sflag:$0x5] =	stream.linear.gather [hbm4b:s24+s5], $0x2800, $0x38;
	[tilespmem:$0x1C3C8] =	vst v63  }
0x33: {  	_ =	swait.ge [sflag:s19], $0x2800  }
0x34: {  	[sflag:s19] =	ssyncset.done $0x0  }
0x35: {  	s2 =	simm.s32 $0x7900;
	[sflag:s19] =	ssyncadd.s32 $0xFFFFD800  }
0x36: {  	[tilespmem:s2+$0xFFFFFF00] =	vst v0  }
0x37: {  	[tilespmem:s2+$0xF0] =	vst v0  }
0x38: {  	[tilespmem:s2+$0xE0] =	vst v0  }
0x39: {  	[tilespmem:s2+$0xD0] =	vst v0  }
0x3a: {  	[tilespmem:s2+$0xC0] =	vst v0  }
0x3b: {  	[tilespmem:s2+$0xB0] =	vst v0  }
0x3c: {  	[tilespmem:s2+$0xA0] =	vst v0  }
0x3d: {  	[tilespmem:s2+$0x90] =	vst v0  }
0x3e: {  	[tilespmem:s2+$0x80] =	vst v0  }
0x3f: {  	[tilespmem:s2+$0x70] =	vst v0  }
0x40: {  	[tilespmem:s2+$0x60] =	vst v0  }
0x41: {  	[tilespmem:s2+$0x50] =	vst v0  }
0x42: {  	[tilespmem:s2+$0x40] =	vst v0  }
0x43: {  	[tilespmem:s2+$0x30] =	vst v0  }
0x44: {  	[tilespmem:s2+$0x20] =	vst v0  }
0x45: {  	[tilespmem:s2+$0x10] =	vst v0  }
0x46: {  	[tilespmem:s2+$0x0] =	vst v0  }
0x47: {  	[tilespmem:s2+$0xFFFFFFF0] =	vst v0  }
0x48: {  	[tilespmem:s2+$0xFFFFFFE0] =	vst v0  }
0x49: {  	[tilespmem:s2+$0xFFFFFFD0] =	vst v0  }
0x4a: {  	[tilespmem:s2+$0xFFFFFFC0] =	vst v0  }
0x4b: {  	[tilespmem:s2+$0xFFFFFFB0] =	vst v0  }
0x4c: {  	[tilespmem:s2+$0xFFFFFFA0] =	vst v0  }
0x4d: {  	[tilespmem:s2+$0xFFFFFF90] =	vst v0  }
0x4e: {  	[tilespmem:s2+$0xFFFFFF80] =	vst v0  }
0x4f: {  	[tilespmem:s2+$0xFFFFFF70] =	vst v0  }
0x50: {  	[tilespmem:s2+$0xFFFFFF60] =	vst v0  }
0x51: {  	[tilespmem:s2+$0xFFFFFF50] =	vst v0  }
0x52: {  	[tilespmem:s2+$0xFFFFFF40] =	vst v0  }
0x53: {  	[tilespmem:s2+$0xFFFFFF30] =	vst v0  }
0x54: {  	s4 =	simm.s32 $0x0;
	[tilespmem:s2+$0xFFFFFF20] =	vst v0  }
.LBB2_2:
0x55: {  	s4 =	sadd.s32 $0x8, s4;
	[tilespmem:s2+$0xFFFFFF10] =	vst v0;
	s2 =	sadd.s32 $0x200, s2  }
0x56: {  	[tilespmem:s2+$0xFFFFFF00] =	vst v0;
	p0 =	slt.u32 s4, $0xF8  }
0x57: {  	[tilespmem:s2+$0xF0] =	vst v0  }
0x58: {  	[tilespmem:s2+$0xE0] =	vst v0  }
0x59: {  	[tilespmem:s2+$0xD0] =	vst v0  }
0x5a: {  	[tilespmem:s2+$0xC0] =	vst v0  }
0x5b: {  	[tilespmem:s2+$0xB0] =	vst v0  }
0x5c: {  	[tilespmem:s2+$0xA0] =	vst v0  }
0x5d: {  	[tilespmem:s2+$0x90] =	vst v0  }
0x5e: {  	[tilespmem:s2+$0x80] =	vst v0  }
0x5f: {  	[tilespmem:s2+$0x70] =	vst v0  }
0x60: {  	[tilespmem:s2+$0x60] =	vst v0  }
0x61: {  	[tilespmem:s2+$0x50] =	vst v0  }
0x62: {  	[tilespmem:s2+$0x40] =	vst v0  }
0x63: {  	[tilespmem:s2+$0x30] =	vst v0  }
0x64: {  	[tilespmem:s2+$0x20] =	vst v0  }
0x65: {  	[tilespmem:s2+$0x10] =	vst v0  }
0x66: {  	[tilespmem:s2+$0x0] =	vst v0  }
0x67: {  	[tilespmem:s2+$0xFFFFFFF0] =	vst v0  }
0x68: {  	[tilespmem:s2+$0xFFFFFFE0] =	vst v0  }
0x69: {  	[tilespmem:s2+$0xFFFFFFD0] =	vst v0  }
0x6a: {  	[tilespmem:s2+$0xFFFFFFC0] =	vst v0  }
0x6b: {  	[tilespmem:s2+$0xFFFFFFB0] =	vst v0  }
0x6c: {  	[tilespmem:s2+$0xFFFFFFA0] =	vst v0  }
0x6d: {  	[tilespmem:s2+$0xFFFFFF90] =	vst v0  }
0x6e: {  	[tilespmem:s2+$0xFFFFFF80] =	vst v0  }
0x6f: {  	[tilespmem:s2+$0xFFFFFF70] =	vst v0  }
.Ltmp2:
0x70: {  	[tilespmem:s2+$0xFFFFFF60] =	vst v0;
	(pc) =	sbr.rel @p0 .LBB2_2-.Ltmp2, $4  }
0x71: {  	[tilespmem:s2+$0xFFFFFF50] =	vst v0  }
0x72: {  	[tilespmem:s2+$0xFFFFFF40] =	vst v0  }
0x73: {  	[tilespmem:s2+$0xFFFFFF30] =	vst v0  }
0x74: {  	[tilespmem:s2+$0xFFFFFF20] =	vst v0  }
0x75: {  	[tilespmem:s2+$0xFFFFFF10] =	vst v0  }
0x76: {  	[spmem:s9] =	stream.linear.scatter [tilespmem:s22], [sflag:$0x5], $0x3E00, $0x38;
	[tilespmem:$0x1C3C8] =	vst v63  }
0x77: {  	_ =	swait.ge [sflag:s19], $0x3E00  }
0x78: {  	[sflag:s19] =	ssyncset.done $0x0  }
0x79: {  	[sflag:s19] =	ssyncadd.s32 $0xFFFFC200  }
0x7a: {  	[spmem:s10] =	stream.linear.scatter [tilespmem:s22], [sflag:$0x5], $0x3E00, $0x38;
	[tilespmem:$0x1C3C8] =	vst v63  }
0x7b: {  	_ =	swait.ge [sflag:s19], $0x3E00  }
0x7c: {  	[sflag:s19] =	ssyncset.done $0x0  }
0x7d: {  	[sflag:s19] =	ssyncadd.s32 $0xFFFFC200  }
0x7e: {  	[spmem:s11] =	stream.linear.scatter [tilespmem:s22], [sflag:$0x5], $0x2200, $0x38;
	[tilespmem:$0x1C3C8] =	vst v63  }
0x7f: {  	_ =	swait.ge [sflag:s19], $0x2200  }
0x80: {  	[sflag:s19] =	ssyncset.done $0x0  }
0x81: {  	[sflag:s19] =	ssyncadd.s32 $0xFFFFDE00  }
0x82: {  	[tilespmem:s22], [sflag:$0x1] =	stream.indirect.gather [hbm4b:s1+s23], $0x40, s5, s23, $0xb8;
	[tilespmem:$0x1C3C8] =	vst v63  }
0x83: {  	s16 =	rddreg [dreg:$0x8]  }
0x84: {  	[tilespmem:s13], [sflag:$0x5] =	stream.linear.gather [hbm4b:s16+s5], $0x280, $0x38;
	[tilespmem:$0x1C3C8] =	vst v63  }
0x85: {  	_ =	swait.ge [sflag:s19], $0x280  }
0x86: {  	[sflag:s19] =	ssyncset.done $0x0  }
0x87: {  	s4 =	simm.s32 $0x12190;
	s24 =	rddreg [dreg:$0x9];
	[sflag:s19] =	ssyncadd.s32 $0xFFFFFD80  }
0x88: {  	[tilespmem:s4], [sflag:$0x5] =	stream.linear.gather [hbm4b:s24+s5], $0x280, $0x38;
	[tilespmem:$0x1C3C8] =	vst v63  }
0x89: {  	_ =	swait.ge [sflag:s19], $0x280  }
0x8a: {  	[sflag:s19] =	ssyncset.done $0x0  }
0x8b: {  	s25 =	simm.s32 $0x121B0;
	[sflag:s19] =	ssyncadd.s32 $0xFFFFFD80  }
0x8c: {  	s2 =	simm.s32 $0x11F30;
	v2 =	vld [tilespmem:s25+$0xFFFFFFF0]  }
0x8d: {  	v3 =	vld [tilespmem:s2+$0xFFFFFFE0]  }
0x8e: {  	v4 =	vld [tilespmem:s25+$0x0]  }
0x8f: {  	v5 =	vld [tilespmem:s25+$0xFFFFFFE0]  }
0x90: {  	v7 =	vld [tilespmem:s25+$0x10]  }
0x91: {  	v8 =	vld [tilespmem:s2+$0x0]  }
0x92: {  	v9 =	vld [tilespmem:s2+$0x10]  }
0x93: {  	v6 =	vld [tilespmem:s2+$0xFFFFFFF0];
	_ =	sdelay $0x2  }
0x94: {  	v3 =	vadd.f32 v5, v3  }
0x95: {  	v4 =	vadd.f32 v4, v8;
	v5 =	vadd.f32 v7, v9  }
0x96: {  	s4 =	simm.s32 $0x11F70;
	v2 =	vadd.f32 v2, v6  }
0x97: {  	v10 =	vld [tilespmem:s4+$0xFFFFFFE0];
	v3 =	vmax.f32 v3, $1.000000000e+00;
	v4 =	vmax.f32 v4, $1.000000000e+00;
	v5 =	vmax.f32 v5, $1.000000000e+00  }
0x98: {  	s6 =	simm.s32 $0x121F0;
	v15 =	vld [tilespmem:s4+$0xFFFFFFF0];
	v7 =	vmul.f32 $5.000000000e-01, v3;
	v3 =	vshrl.u32 v3, $0x1;
	v6 =	vshrl.u32 v4, $0x1  }
0x99: {  	v8 =	vmul.f32 $5.000000000e-01, v4;
	v20 =	vmul.f32 $5.000000000e-01, v5;
	v4 =	vshrl.u32 v5, $0x1;
	v5 =	vld [tilespmem:s6+$0xFFFFFFF0]  }
0x9a: {  	v13 =	vld [tilespmem:s6+$0x0];
	v2 =	vmax.f32 v2, $1.000000000e+00;
	v3 =	vsub.s32 $0x5F3759DF, v3;
	v6 =	vsub.s32 $0x5F3759DF, v6  }
0x9b: {  	v18 =	vld [tilespmem:s4+$0x0];
	v4 =	vsub.s32 $0x5F3759DF, v4;
	v9 =	vmul.f32 v3, v7;
	v11 =	vmul.f32 v6, v8  }
0x9c: {  	v19 =	vld [tilespmem:s6+$0x10];
	v14 =	vshrl.u32 v2, $0x1;
	v16 =	vmul.f32 $5.000000000e-01, v2;
	v12 =	vmul.f32 v4, v20  }
0x9d: {  	s7 =	simm.s32 $0x12230;
	v14 =	vsub.s32 $0x5F3759DF, v14;
	v2 =	vmul.f32 v3, v9;
	v9 =	vld [tilespmem:s6+$0xFFFFFFE0];
	v11 =	vmul.f32 v6, v11  }
0x9e: {  	v24 =	vld [tilespmem:s7+$0xFFFFFFF0];
	v17 =	vmul.f32 v14, v16;
	v12 =	vmul.f32 v4, v12;
	s6 =	simm.s32 $0x11FB0;
	v5 =	vadd.f32 v5, v15  }
0x9f: {  	v29 =	vld [tilespmem:s6+$0xFFFFFFF0];
	v2 =	vsub.f32 $1.500000000e+00, v2;
	v11 =	vsub.f32 $1.500000000e+00, v11  }
0xa0: {  	v17 =	vmul.f32 v14, v17;
	v12 =	vsub.f32 $1.500000000e+00, v12  }
0xa1: {  	v15 =	vmax.f32 v5, $1.000000000e+00;
	v21 =	vmul.f32 v3, v2;
	v2 =	vld [tilespmem:s4+$0x10];
	v11 =	vmul.f32 v6, v11  }
0xa2: {  	v22 =	vmul.f32 v4, v12;
	v6 =	vsub.f32 $1.500000000e+00, v17;
	v3 =	vadd.f32 v9, v10  }
0xa3: {  	v10 =	vadd.f32 v13, v18;
	v4 =	vmul.f32 v21, v7;
	v9 =	vmul.f32 v11, v8  }
0xa4: {  	v18 =	vmul.f32 v14, v6;
	v28 =	vmul.f32 v22, v20;
	v24 =	vadd.f32 v24, v29  }
0xa5: {  	v3 =	vmax.f32 v3, $1.000000000e+00;
	v5 =	vmax.f32 v10, $1.000000000e+00;
	v12 =	vmul.f32 v4, v21  }
0xa6: {  	v4 =	vmul.f32 $5.000000000e-01, v3;
	v13 =	vshrl.u32 v3, $0x1;
	v2 =	vadd.f32 v19, v2  }
0xa7: {  	v3 =	vmul.f32 $5.000000000e-01, v15;
	v10 =	vshrl.u32 v5, $0x1;
	v9 =	vmul.f32 v9, v11  }
0xa8: {  	v5 =	vmul.f32 $5.000000000e-01, v5;
	v15 =	vshrl.u32 v15, $0x1;
	v17 =	vmax.f32 v2, $1.000000000e+00  }
0xa9: {  	v13 =	vsub.s32 $0x5F3759DF, v13;
	v2 =	vmul.f32 $5.000000000e-01, v17;
	v17 =	vshrl.u32 v17, $0x1  }
0xaa: {  	v23 =	vsub.s32 $0x5F3759DF, v15;
	v15 =	vmul.f32 v18, v16;
	v14 =	vsub.s32 $0x5F3759DF, v17  }
0xab: {  	v10 =	vsub.s32 $0x5F3759DF, v10;
	v6 =	vmul.f32 v13, v4;
	v19 =	vmul.f32 v14, v2  }
0xac: {  	v12 =	vsub.f32 $1.500000000e+00, v12;
	v25 =	vmul.f32 v23, v3;
	v17 =	vmul.f32 v10, v5  }
0xad: {  	v27 =	vld [tilespmem:s7+$0xFFFFFFE0];
	v24 =	vmax.f32 v24, $1.000000000e+00;
	v6 =	vmul.f32 v13, v6;
	v19 =	vmul.f32 v14, v19  }
0xae: {  	v26 =	vld [tilespmem:s6+$0xFFFFFFE0];
	v9 =	vsub.f32 $1.500000000e+00, v9;
	v12 =	vmul.f32 v12, v21;
	v17 =	vmul.f32 v10, v17  }
0xaf: {  	v15 =	vmul.f32 v15, v18;
	v30 =	vsub.f32 $1.500000000e+00, v6;
	v19 =	vsub.f32 $1.500000000e+00, v19  }
0xb0: {  	v31 =	vld [tilespmem:s7+$0x0];
	v21 =	vmul.f32 v23, v25;
	v7 =	vmul.f32 v12, v7;
	v17 =	vsub.f32 $1.500000000e+00, v17  }
0xb1: {  	v15 =	vsub.f32 $1.500000000e+00, v15;
	v13 =	vmul.f32 v13, v30;
	v6 =	vmul.f32 v14, v19;
	v19 =	vld [tilespmem:s6+$0x0]  }
0xb2: {  	v29 =	vshrl.u32 v24, $0x1;
	v25 =	vld [tilespmem:s6+$0x10];
	v14 =	vmul.f32 v9, v11;
	v11 =	vmul.f32 v10, v17  }
0xb3: {  	v15 =	vmul.f32 v15, v18;
	v10 =	vld [tilespmem:s7+$0x10];
	v9 =	vadd.f32 v27, v26;
	v17 =	vmul.f32 v13, v4  }
0xb4: {  	v21 =	vsub.f32 $1.500000000e+00, v21;
	v7 =	vmul.f32 v7, v12;
	v26 =	vmul.f32 v11, v5  }
0xb5: {  	v18 =	vmax.f32 v9, $1.000000000e+00;
	v27 =	vmul.f32 v17, v13;
	v30 =	vmul.f32 v14, v8  }
0xb6: {  	v9 =	vmul.f32 $5.000000000e-01, v18;
	v18 =	vshrl.u32 v18, $0x1;
	v17 =	vadd.f32 v31, v19  }
0xb7: {  	v18 =	vsub.s32 $0x5F3759DF, v18;
	v19 =	vmul.f32 v28, v22;
	v28 =	vmul.f32 v15, v16  }
0xb8: {  	v10 =	vadd.f32 v10, v25;
	v31 =	vmul.f32 v26, v11;
	v16 =	vmax.f32 v17, $1.000000000e+00  }
0xb9: {  	v17 =	vsub.f32 $1.500000000e+00, v7;
	v7 =	vmul.f32 $5.000000000e-01, v24;
	v19 =	vsub.f32 $1.500000000e+00, v19  }
0xba: {  	v24 =	vmax.f32 v10, $1.000000000e+00;
	v25 =	vmul.f32 v28, v15;
	v10 =	vmul.f32 $5.000000000e-01, v16  }
0xbb: {  	v8 =	vshrl.u32 v16, $0x1;
	v16 =	vmul.f32 v23, v21;
	v21 =	vmul.f32 v18, v9  }
0xbc: {  	v32 =	vmul.f32 v17, v12;
	v17 =	vsub.s32 $0x5F3759DF, v8;
	v12 =	vsub.s32 $0x5F3759DF, v29  }
0xbd: {  	v8 =	vmul.f32 $5.000000000e-01, v24;
	v19 =	vmul.f32 v19, v22;
	v29 =	vshrl.u32 v24, $0x1  }
0xbe: {  	v22 =	vsub.f32 $1.500000000e+00, v27;
	v24 =	vmul.f32 v17, v10;
	v23 =	vmul.f32 v18, v21  }
0xbf: {  	v27 =	vmul.f32 v16, v3;
	v26 =	vmul.f32 v19, v20;
	v20 =	vsub.s32 $0x5F3759DF, v29  }
0xc0: {  	s8 =	simm.s32 $0x11FF0;
	s12 =	simm.s32 $0x12270;
	s7 =	simm.s32 $0x8;
	v21 =	vsub.f32 $1.500000000e+00, v31;
	[tilespmem:s2+$0xFFFFFFE0] =	vst v32;
	v29 =	vmul.f32 v30, v14;
	v28 =	vmul.f32 v20, v8  }
.LBB2_4:
0xc1: {  	v30 =	vld [tilespmem:s12+$0xFFFFFFF0];
	s7 =	sadd.s32 $0x4, s7;
	v31 =	vmul.f32 v12, v7;
	v25 =	vsub.f32 $1.500000000e+00, v25;
	v26 =	vmul.f32 v26, v19  }
0xc2: {  	v27 =	vmul.f32 v27, v16;
	v32 =	vld [tilespmem:s8+$0xFFFFFFE0];
	p0 =	slt.u32 s7, $0x24;
	v28 =	vmul.f32 v20, v28;
	v29 =	vsub.f32 $1.500000000e+00, v29  }
0xc3: {  	v24 =	vmul.f32 v17, v24;
	v34 =	vmul.f32 v6, v2;
	v33 =	vld [tilespmem:s12+$0x0];
	v26 =	vsub.f32 $1.500000000e+00, v26  }
0xc4: {  	v22 =	vmul.f32 v22, v13;
	v35 =	vld [tilespmem:s12+$0xFFFFFFE0];
	v28 =	vsub.f32 $1.500000000e+00, v28;
	v13 =	vmul.f32 v29, v14  }
0xc5: {  	v15 =	vmul.f32 v25, v15;
	v14 =	vsub.f32 $1.500000000e+00, v23;
	v23 =	vmul.f32 v12, v31;
	v29 =	vld [tilespmem:s8+$0xFFFFFFF0]  }
0xc6: {  	v24 =	vsub.f32 $1.500000000e+00, v24;
	v27 =	vsub.f32 $1.500000000e+00, v27;
	v25 =	vld [tilespmem:s12+$0x10];
	v20 =	vmul.f32 v20, v28;
	[tilespmem:s2+$0x0] =	vst v13  }
0xc7: {  	v13 =	vmul.f32 v18, v14;
	v23 =	vsub.f32 $1.500000000e+00, v23;
	v14 =	vmul.f32 v21, v11;
	v28 =	vld [tilespmem:s8+$0x0];
	[tilespmem:s2+$0xFFFFFFF0] =	vst v15  }
0xc8: {  	v11 =	vmul.f32 v17, v24;
	v17 =	vmul.f32 v22, v4;
	v4 =	vmov v9;
	v18 =	vld [tilespmem:s8+$0x10]  }
0xc9: {  	v19 =	vmul.f32 v26, v19;
	v21 =	vmul.f32 v13, v4;
	v9 =	vadd.f32 v35, v32  }
0xca: {  	v15 =	vmul.f32 v27, v16;
	v26 =	vmul.f32 v11, v10;
	v24 =	vadd.f32 v30, v29  }
0xcb: {  	v17 =	vmul.f32 v17, v22;
	v21 =	vmul.f32 v21, v13;
	v16 =	vmax.f32 v9, $1.000000000e+00;
	[tilespmem:s2+$0x10] =	vst v19;
	s2 =	smov.u32 s4;
	s4 =	smov.u32 s6;
	s6 =	smov.u32 s8  }
0xcc: {  	v27 =	vmul.f32 v34, v6;
	v9 =	vmul.f32 $5.000000000e-01, v16;
	v19 =	vadd.f32 v33, v28  }
0xcd: {  	v16 =	vshrl.u32 v16, $0x1;
	v24 =	vmax.f32 v24, $1.000000000e+00;
	v28 =	vmul.f32 v15, v3;
	v3 =	vmovc v7  }
0xce: {  	v17 =	vsub.f32 $1.500000000e+00, v17;
	v29 =	vshrl.u32 v24, $0x1;
	v19 =	vmax.f32 v19, $1.000000000e+00  }
0xcf: {  	v30 =	vmul.f32 v14, v5;
	v5 =	vmovc v10;
	v7 =	vmul.f32 $5.000000000e-01, v24;
	v24 =	vadd.f32 v25, v18  }
0xd0: {  	v31 =	vmul.f32 v26, v11;
	v25 =	vsub.f32 $1.500000000e+00, v27;
	v10 =	vshrl.u32 v19, $0x1  }
0xd1: {  	v22 =	vmul.f32 v17, v22;
	v18 =	vsub.s32 $0x5F3759DF, v16;
	v24 =	vmax.f32 v24, $1.000000000e+00  }
0xd2: {  	v16 =	vmul.f32 v12, v23;
	v17 =	vsub.s32 $0x5F3759DF, v10;
	v10 =	vmul.f32 $5.000000000e-01, v19  }
.Ltmp3:
0xd3: {  	v12 =	vsub.s32 $0x5F3759DF, v29;
	v23 =	vmul.f32 $5.000000000e-01, v24;
	v19 =	vmul.f32 v25, v6;
	v6 =	vmovc v20;
	[tilespmem:s2+$0xFFFFFFE0] =	vst v22;
	(pc) =	sbr.rel @p0 .LBB2_4-.Ltmp3, $4  }
0xd4: {  	v20 =	vmul.f32 v18, v9;
	v27 =	vshrl.u32 v24, $0x1;
	v25 =	vmul.f32 v28, v15  }
0xd5: {  	v24 =	vmul.f32 v17, v10;
	v26 =	vmul.f32 v19, v2;
	v2 =	vmovc v8;
	v8 =	vmovc v23;
	v22 =	vsub.f32 $1.500000000e+00, v21  }
0xd6: {  	v23 =	vmul.f32 v18, v20;
	v20 =	vsub.s32 $0x5F3759DF, v27;
	v27 =	vmul.f32 v16, v3  }
0xd7: {  	s12 =	sadd.s32 $0x40, s12;
	s8 =	sadd.s32 $0x40, s8;
	v29 =	vmul.f32 v30, v14;
	v28 =	vmul.f32 v20, v8;
	v21 =	vsub.f32 $1.500000000e+00, v31  }
0xd8: {  	v30 =	vmul.f32 v12, v7;
	v26 =	vmul.f32 v26, v19  }
0xd9: {  	v27 =	vmul.f32 v27, v16;
	v24 =	vmul.f32 v17, v24  }
0xda: {  	v25 =	vsub.f32 $1.500000000e+00, v25;
	v31 =	vmul.f32 v6, v2;
	v13 =	vmul.f32 v22, v13  }
0xdb: {  	v38 =	vsub.f32 $1.500000000e+00, v23;
	v28 =	vmul.f32 v20, v28;
	v11 =	vmul.f32 v21, v11  }
0xdc: {  	v29 =	vsub.f32 $1.500000000e+00, v29;
	v39 =	vmul.f32 v12, v30;
	v15 =	vmul.f32 v25, v15  }
0xdd: {  	v24 =	vsub.f32 $1.500000000e+00, v24;
	v18 =	vmul.f32 v18, v38;
	v4 =	vmul.f32 v13, v4  }
0xde: {  	v41 =	vsub.f32 $1.500000000e+00, v26;
	v46 =	vmul.f32 v31, v6;
	v14 =	vmul.f32 v29, v14  }
0xdf: {  	v42 =	vsub.f32 $1.500000000e+00, v27;
	v5 =	vmul.f32 v11, v5;
	v43 =	vmul.f32 v17, v24  }
0xe0: {  	v28 =	vsub.f32 $1.500000000e+00, v28;
	v22 =	vmul.f32 v18, v9;
	v44 =	vmul.f32 v41, v19  }
0xe1: {  	v45 =	vmul.f32 v42, v16;
	v4 =	vmul.f32 v4, v13  }
0xe2: {  	v23 =	vsub.f32 $1.500000000e+00, v39;
	v40 =	vmul.f32 v20, v28;
	v5 =	vmul.f32 v5, v11  }
0xe3: {  	v21 =	vsub.f32 $1.500000000e+00, v46;
	v24 =	vmul.f32 v43, v10;
	v22 =	vmul.f32 v22, v18  }
0xe4: {  	v3 =	vmul.f32 v45, v3;
	v4 =	vsub.f32 $1.500000000e+00, v4;
	v47 =	vmul.f32 v12, v23  }
0xe5: {  	v48 =	vmul.f32 v21, v6;
	v50 =	vmul.f32 v40, v8  }
0xe6: {  	v24 =	vmul.f32 v24, v43;
	v4 =	vmul.f32 v4, v13  }
0xe7: {  	v3 =	vmul.f32 v3, v45;
	v49 =	vmul.f32 v47, v7;
	v22 =	vsub.f32 $1.500000000e+00, v22  }
0xe8: {  	v2 =	vmul.f32 v48, v2;
	v21 =	vmul.f32 v50, v40  }
0xe9: {  	v13 =	vmul.f32 v49, v47;
	v51 =	vsub.f32 $1.500000000e+00, v24;
	v18 =	vmul.f32 v22, v18  }
0xea: {  	v2 =	vmul.f32 v2, v48;
	v3 =	vsub.f32 $1.500000000e+00, v3;
	v53 =	vsub.f32 $1.500000000e+00, v21  }
0xeb: {  	v13 =	vsub.f32 $1.500000000e+00, v13;
	v52 =	vmul.f32 v51, v43;
	v54 =	vmul.f32 v18, v9  }
0xec: {  	v3 =	vmul.f32 v3, v45;
	v56 =	vmul.f32 v53, v40  }
0xed: {  	[tilespmem:s2+$0xFFFFFFF0] =	vst v15;
	v12 =	vmul.f32 v13, v47;
	v55 =	vmul.f32 v52, v10  }
0xee: {  	[tilespmem:s2+$0x0] =	vst v14;
	v2 =	vsub.f32 $1.500000000e+00, v2;
	v9 =	vmul.f32 v54, v18;
	v58 =	vmul.f32 v56, v8  }
0xef: {  	[tilespmem:s2+$0x10] =	vst v44;
	v5 =	vsub.f32 $1.500000000e+00, v5;
	v57 =	vmul.f32 v12, v7;
	v10 =	vmul.f32 v55, v52  }
0xf0: {  	[tilespmem:s4+$0xFFFFFFE0] =	vst v4;
	v2 =	vmul.f32 v2, v48;
	v59 =	vsub.f32 $1.500000000e+00, v9;
	v60 =	vmul.f32 v58, v56  }
0xf1: {  	v5 =	vmul.f32 v5, v11;
	[tilespmem:s4+$0xFFFFFFF0] =	vst v3;
	v7 =	vmul.f32 v57, v12;
	v61 =	vsub.f32 $1.500000000e+00, v10  }
0xf2: {  	[tilespmem:s4+$0x10] =	vst v2;
	v3 =	vmul.f32 v59, v18;
	v2 =	vsub.f32 $1.500000000e+00, v60  }
0xf3: {  	[tilespmem:s4+$0x0] =	vst v5;
	v62 =	vsub.f32 $1.500000000e+00, v7;
	v63 =	vmul.f32 v61, v52  }
0xf4: {  	[tilespmem:s6+$0xFFFFFFE0] =	vst v3;
	v2 =	vmul.f32 v2, v56  }
0xf5: {  	v3 =	vmul.f32 v62, v12;
	[tilespmem:s6+$0x0] =	vst v63  }
0xf6: {  	[tilespmem:s6+$0x10] =	vst v2  }
0xf7: {  	[tilespmem:s6+$0xFFFFFFF0] =	vst v3  }
0xf8: {  	s2 =	rddreg [dreg:$0xa]  }
0xf9: {  	[spmem:s2] =	stream.linear.scatter [tilespmem:s13], [sflag:$0x5], $0x280, $0x38;
	[tilespmem:$0x1C3C8] =	vst v63  }
0xfa: {  	_ =	swait.ge [sflag:s19], $0x280  }
0xfb: {  	[sflag:s19] =	ssyncset.done $0x0  }
0xfc: {  	[sflag:s19] =	ssyncadd.s32 $0xFFFFFD80  }
0xfd: {  	[bflag:$0x0] =	sbarrier.arrive $0xFFFF  }
0xfe: {  	s25 =	rddreg [dreg:$0x3]  }
0xff: {  	[tilespmem:s26], [sflag:$0x5] =	stream.linear.gather [spmem:s25], $0x2710, $0x38;
	[tilespmem:$0x1C3C8] =	vst v63  }
0x100: {  	s24 =	simm.s32 $0x5130;
	_ =	swait.ge [sflag:s19], $0x2710  }
0x101: {  	s4 =	simm.s32 $0x5020;
	s6 =	simm.s32 $0x130;
	[sflag:s19] =	ssyncset.done $0x0  }
0x102: {  	s2 =	simm.s32 $0x20;
	s25 =	simm.s32 $0x0;
	[sflag:s19] =	ssyncadd.s32 $0xFFFFD8F0  }
.LBB2_6:
0x103: {  	p0 =	seq.s32 s25, $0x0  }
0x104: {  	s7 =	simm.s32 @!p0 $0x4  }
0x105: {  	_ =	swait.ge @!p0 [sflag:s7], $0x4000  }
0x106: {  	s8 =	sshll.u32 s25, $0x9;
	[sflag:s7] =	ssyncset.done @!p0 $0x0  }
0x107: {  	[sflag:s7] =	ssyncadd.s32 @!p0 $0xFFFFC000;
	s7 =	sor.u32 $0x100, s8  }
0x108: {  	[tilespmem:s28], [sflag:$0x2] =	stream.indirect.gather [hbm4b:s1+s23], $0x40, s7, s23, $0xb8;
	[tilespmem:$0x1C3C8] =	vst v63  }
0x109: {  	_ =	swait.ge [sflag:s29], $0x4000  }
0x10a: {  	[sflag:s29] =	ssyncset.done $0x0  }
0x10b: {  	[sflag:s29] =	ssyncadd.s32 $0xFFFFC000  }
0x10c: {  	v2 =	vld [tilespmem:s2+$0x10]  }
0x10d: {  	v3 =	vld [tilespmem:s2+$0xFFFFFFF0]  }
0x10e: {  	v4 =	vld [tilespmem:s2+$0xFFFFFFE0]  }
0x10f: {  	v5 =	vld [tilespmem:s2+$0x0]  }
0x110: {  	s14 =	sadd.s32 $0x40, s2;
	v8 =	vld [tilespmem:s4+$0x10]  }
0x111: {  	v7 =	vld [tilespmem:s14+$0x10]  }
0x112: {  	v12 =	vld [tilespmem:s14+$0xFFFFFFF0]  }
0x113: {  	v13 =	vld [tilespmem:s14+$0xFFFFFFE0]  }
0x114: {  	v14 =	vld [tilespmem:s4+$0xFFFFFFE0]  }
0x115: {  	v15 =	vld [tilespmem:s4+$0xFFFFFFF0]  }
0x116: {  	v9 =	vld [tilespmem:s4+$0x0]  }
0x117: {  	v6 =	vld.idx.msk [tilespmem:v2+s26+$0x0], $0xffff  }
0x118: {  	v11 =	vld.idx.msk [tilespmem:v3+s26+$0x0], $0xffff  }
0x119: {  	s12 =	sadd.s32 $0x40, s4;
	v3 =	vld.idx.msk [tilespmem:v4+s26+$0x0], $0xffff  }
0x11a: {  	v10 =	vld [tilespmem:s12+$0x10]  }
0x11b: {  	v4 =	vld.idx.msk [tilespmem:v5+s26+$0x0], $0xffff  }
0x11c: {  	v2 =	vld [tilespmem:s14+$0x0]  }
0x11d: {  	v7 =	vld.idx.msk [tilespmem:v7+s26+$0x0], $0xffff;
	v6 =	vmul.f32 v8, v6  }
0x11e: {  	s8 =	simm.s32 $0x12430;
	v5 =	vld.idx.msk [tilespmem:v12+s26+$0x0], $0xffff;
	v8 =	vmul.f32 v14, v3  }
0x11f: {  	s13 =	simm.s32 $0x4;
	s14 =	sadd.s32 $0x40, s14;
	v3 =	vld.idx.msk [tilespmem:v13+s26+$0x0], $0xffff;
	[tilespmem:s8+$0x10] =	vst v6;
	v6 =	vmul.f32 v15, v11  }
.LBB2_7:
0x120: {  	v11 =	vld [tilespmem:s14+$0x10];
	s13 =	sadd.s32 $0x4, s13;
	[tilespmem:s8+$0xFFFFFFE0] =	vst v8;
	v4 =	vmul.f32 v9, v4  }
0x121: {  	v8 =	vld [tilespmem:s14+$0xFFFFFFF0];
	p0 =	slt.u32 s13, $0xC;
	[tilespmem:s8+$0xFFFFFFF0] =	vst v6  }
0x122: {  	v6 =	vld [tilespmem:s14+$0x0];
	v7 =	vmul.f32 v10, v7;
	[tilespmem:s8+$0x0] =	vst v4  }
0x123: {  	s8 =	sadd.s32 $0x40, s8;
	v12 =	vld [tilespmem:s14+$0xFFFFFFE0]  }
0x124: {  	v13 =	vmov v5;
	v4 =	vld.idx.msk [tilespmem:v2+s26+$0x0], $0xffff;
	[tilespmem:s8+$0x10] =	vst v7  }
0x125: {  	v14 =	vld [tilespmem:s12+$0xFFFFFFE0]  }
0x126: {  	v15 =	vld [tilespmem:s12+$0xFFFFFFF0]  }
.Ltmp4:
0x127: {  	v9 =	vld [tilespmem:s12+$0x0];
	v2 =	vmov v6;
	(pc) =	sbr.rel @p0 .LBB2_7-.Ltmp4, $4  }
0x128: {  	s12 =	sadd.s32 $0x40, s12;
	v7 =	vld.idx.msk [tilespmem:v11+s26+$0x0], $0xffff  }
0x129: {  	v10 =	vld [tilespmem:s12+$0x10]  }
0x12a: {  	v5 =	vld.idx.msk [tilespmem:v8+s26+$0x0], $0xffff;
	v8 =	vmul.f32 v14, v3  }
0x12b: {  	s14 =	sadd.s32 $0x40, s14;
	v3 =	vld.idx.msk [tilespmem:v12+s26+$0x0], $0xffff;
	v6 =	vmul.f32 v15, v13  }
0x12c: {  	_ =	sdelay $0x3  }
0x12d: {  	v2 =	vld.idx.msk [tilespmem:v2+s26+$0x0], $0xffff  }
0x12e: {  	v11 =	vld [tilespmem:s12+$0xFFFFFFE0]  }
0x12f: {  	v12 =	vld [tilespmem:s12+$0xFFFFFFF0]  }
0x130: {  	v13 =	vld [tilespmem:s12+$0x0];
	s15 =	simm.s32 $0x1  }
0x131: {  	v4 =	vmul.f32 v9, v4;
	s13 =	simm.s32 $0x2;
	v59 =	vmov s15;
	s15 =	simm.s32 $0x6  }
0x132: {  	[tilespmem:s8+$0xFFFFFFE0] =	vst v8;
	v60 =	vmov s13;
	v7 =	vmul.f32 v10, v7;
	v15 =	vmov s15  }
0x133: {  	v8 =	vshrl.u32 v59, $0x3;
	v61 =	vshrl.u32 v60, $0x3;
	[tilespmem:s8+$0x0] =	vst v4;
	v4 =	vshrl.u32 v15, $0x3  }
0x134: {  	s14 =	simm.s32 $0x0;
	v8 =	vshll.u32 v8, v1;
	v10 =	vshll.u32 v61, v1;
	v3 =	vmul.f32 v11, v3  }
0x135: {  	s16 =	simm.s32 $0x3;
	v58 =	vmul.f32 v12, v5;
	v5 =	vmov s14;
	v2 =	vmul.f32 v13, v2;
	s14 =	simm.s32 $0x4  }
0x136: {  	[tilespmem:s8+$0xFFFFFFF0] =	vst v6;
	v12 =	vmov s16;
	s16 =	sadd.s32 $0x40, s8;
	v5 =	vshrl.u32 v5, $0x3;
	v13 =	vmov s14;
	s14 =	simm.s32 $0x5  }
0x137: {  	p1 =	por $0x1, $0x1;
	v62 =	vshrl.u32 v12, $0x3;
	[tilespmem:s16+$0x10] =	vst v7;
	v14 =	vmov s14;
	v5 =	vshll.u32 v5, v1  }
.Ltmp5:
0x138: {  	v6 =	vshrl.u32 v13, $0x3;
	v7 =	vshll.u32 v62, v1;
	[tilespmem:s16+$0xFFFFFFE0] =	vst v3;
	v3 =	vshll.u32 v4, v1;
	(pc) =	sbr.rel @!p1 .LBB2_9-.Ltmp5, $4  }
0x139: {  	v4 =	vadd.s32 $0x1, v8;
	v8 =	vadd.s32 $0x2, v10;
	v12 =	vshrl.u32 v14, $0x3  }
0x13a: {  	v5 =	vbroadcast v5, $0x0;
	v6 =	vshll.u32 v6, v1;
	v16 =	vadd.s32 $0x3, v7  }
0x13b: {  	s12 =	simm.s32 $0x7900;
	[tilespmem:s16+$0xFFFFFFF0] =	vst v58;
	v7 =	vbroadcast v8, $0x0;
	v14 =	vadd.s32 $0x6, v3;
	v63 =	vshll.u32 v12, v1  }
0x13c: {  	p0 =	por $0x0, $0x0;
	s8 =	simm.s32 $0x8;
	[tilespmem:s16+$0x0] =	vst v2;
	s14 =	simm.s32 $0x7;
	v12 =	vadd.s32 $0x4, v6;
	v6 =	vbroadcast v4, $0x0;
	v13 =	vadd.s32 $0x5, v63  }
0x13d: {  	_ = 	snop  }
0x13e: {  	v2 =	vbroadcast v16, $0x0  }
0x13f: {  	v4 =	vbroadcast v12, $0x0  }
0x140: {  	v3 =	vmov s14;
	v8 =	vbroadcast v13, $0x0  }
0x141: {  	v5 =	vld.idx.msk [tilespmem:v5+s30+$0x0], $0xffff;
	v9 =	vbroadcast v14, $0x0;
	v3 =	vshrl.u32 v3, $0x3  }
0x142: {  	v7 =	vld.idx.msk [tilespmem:v7+s30+$0x0], $0xffff;
	v3 =	vshll.u32 v3, v1  }
0x143: {  	v13 =	vld [tilespmem:s12+$0xFFFFFF20];
	v3 =	vadd.s32 $0x7, v3  }
0x144: {  	v10 =	vbroadcast v3, $0x0;
	v11 =	vld.idx.msk [tilespmem:v2+s30+$0x0], $0xffff  }
0x145: {  	v12 =	vld.idx.msk [tilespmem:v4+s30+$0x0], $0xffff  }
0x146: {  	v4 =	vld.idx.msk [tilespmem:v8+s30+$0x0], $0xffff  }
0x147: {  	v3 =	vld.idx.msk [tilespmem:v9+s30+$0x0], $0xffff  }
0x148: {  	v8 =	vld [tilespmem:s12+$0xF0]  }
0x149: {  	v9 =	vld [tilespmem:s12+$0xFFFFFF00]  }
0x14a: {  	v2 =	vld.idx.msk [tilespmem:v10+s30+$0x0], $0xffff  }
0x14b: {  	v10 =	vld [tilespmem:s12+$0xFFFFFF10]  }
0x14c: {  	v14 =	vld [tilespmem:s12+$0xFFFFFF30]  }
0x14d: {  	v15 =	vld [tilespmem:s12+$0xFFFFFF40]  }
0x14e: {  	v6 =	vld.idx.msk [tilespmem:v6+s30+$0x0], $0xffff;
	v9 =	vmul.f32 v9, v5  }
0x14f: {  	v16 =	vld [tilespmem:s12+$0xFFFFFF50];
	v8 =	vmul.f32 v8, v2  }
0x150: {  	v17 =	vld [tilespmem:s12+$0xFFFFFF60];
	[tilespmem:s12+$0xFFFFFF00] =	vst v9;
	v10 =	vmul.f32 v10, v5  }
0x151: {  	v9 =	vld [tilespmem:s12+$0xFFFFFF70];
	[tilespmem:s12+$0xF0] =	vst v8;
	v8 =	vmul.f32 v13, v5  }
0x152: {  	[tilespmem:s12+$0xFFFFFF10] =	vst v10;
	v5 =	vmul.f32 v14, v5;
	v10 =	vld [tilespmem:s12+$0xFFFFFF80]  }
0x153: {  	v13 =	vld [tilespmem:s12+$0xFFFFFF90];
	[tilespmem:s12+$0xFFFFFF20] =	vst v8;
	v8 =	vmul.f32 v15, v6  }
0x154: {  	v14 =	vld [tilespmem:s12+$0xFFFFFFA0];
	[tilespmem:s12+$0xFFFFFF30] =	vst v5;
	v5 =	vmul.f32 v16, v6  }
0x155: {  	v15 =	vld [tilespmem:s12+$0xFFFFFFB0];
	[tilespmem:s12+$0xFFFFFF40] =	vst v8;
	v8 =	vmul.f32 v17, v6  }
0x156: {  	s14 =	simm.s32 $0xC;
	s15 =	simm.s32 $0xD;
	[tilespmem:s12+$0xFFFFFF50] =	vst v5;
	v5 =	vmul.f32 v9, v6;
	v6 =	vld [tilespmem:s12+$0xFFFFFFC0]  }
0x157: {  	v19 =	vmov s14;
	v20 =	vmov s15;
	[tilespmem:s12+$0xFFFFFF60] =	vst v8;
	v8 =	vmul.f32 v10, v7;
	v10 =	vld [tilespmem:s12+$0xFFFFFFD0]  }
0x158: {  	v19 =	vshrl.u32 v19, $0x3;
	v16 =	vmov s8;
	[tilespmem:s12+$0xFFFFFF70] =	vst v5;
	v5 =	vmul.f32 v13, v7;
	v13 =	vld [tilespmem:s12+$0xFFFFFFE0]  }
0x159: {  	s16 =	simm.s32 $0x9;
	s13 =	simm.s32 $0xA;
	v20 =	vshrl.u32 v20, $0x3;
	v9 =	vshrl.u32 v16, $0x3;
	[tilespmem:s12+$0xFFFFFF80] =	vst v8;
	v8 =	vmul.f32 v14, v7;
	v14 =	vld [tilespmem:s12+$0xFFFFFFF0]  }
0x15a: {  	v16 =	vmov s16;
	v17 =	vmov s13;
	s13 =	simm.s32 $0xB;
	[tilespmem:s12+$0xFFFFFF90] =	vst v5;
	v5 =	vmul.f32 v15, v7;
	v7 =	vld [tilespmem:s12+$0x0]  }
0x15b: {  	v18 =	vmov s13;
	v15 =	vshrl.u32 v16, $0x3;
	v6 =	vmul.f32 v6, v11;
	[tilespmem:s12+$0xFFFFFFA0] =	vst v8;
	v8 =	vld [tilespmem:s12+$0x10]  }
0x15c: {  	s16 =	simm.s32 $0xE;
	v16 =	vshrl.u32 v17, $0x3;
	v17 =	vshrl.u32 v18, $0x3;
	v18 =	vld [tilespmem:s12+$0x20];
	[tilespmem:s12+$0xFFFFFFB0] =	vst v5;
	v10 =	vmul.f32 v10, v11  }
0x15d: {  	v21 =	vmov s16;
	v9 =	vshll.u32 v9, v1;
	[tilespmem:s12+$0xFFFFFFC0] =	vst v6;
	v6 =	vmul.f32 v13, v11;
	v13 =	vld [tilespmem:s12+$0x30]  }
0x15e: {  	v5 =	vbroadcast v9, $0x0;
	v9 =	vshrl.u32 v21, $0x3;
	[tilespmem:s12+$0xFFFFFFD0] =	vst v10;
	v10 =	vmul.f32 v14, v11;
	v11 =	vld [tilespmem:s12+$0x40]  }
0x15f: {  	v14 =	vshll.u32 v15, v1;
	v15 =	vshll.u32 v16, v1;
	[tilespmem:s12+$0xFFFFFFE0] =	vst v6;
	v6 =	vmul.f32 v7, v12;
	v7 =	vld [tilespmem:s12+$0x50]  }
0x160: {  	p1 =	por $0x1, $0x1;
	v16 =	vshll.u32 v17, v1;
	v17 =	vshll.u32 v19, v1;
	v19 =	vld [tilespmem:s12+$0x60];
	[tilespmem:s12+$0xFFFFFFF0] =	vst v10;
	v10 =	vmul.f32 v8, v12  }
.Ltmp6:
0x161: {  	v20 =	vshll.u32 v20, v1;
	v21 =	vshll.u32 v9, v1;
	[tilespmem:s12+$0x0] =	vst v6;
	v6 =	vmul.f32 v18, v12;
	v8 =	vld [tilespmem:s12+$0x70];
	(pc) =	sbr.rel @!p1 .LBB2_11-.Ltmp6, $4  }
0x162: {  	v9 =	vld [tilespmem:s12+$0x80];
	v14 =	vadd.s32 $0x1, v14;
	v15 =	vadd.s32 $0x2, v15;
	v18 =	vmul.f32 v13, v12;
	[tilespmem:s12+$0x10] =	vst v10  }
0x163: {  	v16 =	vadd.s32 $0x3, v16;
	v12 =	vadd.s32 $0x4, v17;
	[tilespmem:s12+$0x20] =	vst v6;
	v10 =	vld [tilespmem:s12+$0x90];
	v22 =	vmul.f32 v11, v4  }
0x164: {  	p0 =	por $0x1, $0x1;
	v13 =	vadd.s32 $0x5, v20;
	v6 =	vbroadcast v14, $0x0;
	[tilespmem:s12+$0x30] =	vst v18;
	v17 =	vmul.f32 v7, v4;
	v11 =	vld [tilespmem:s12+$0xA0]  }
0x165: {  	s14 =	simm.s32 $0xF;
	s8 =	simm.s32 $0x7900;
	s13 =	simm.s32 $0x10;
	v14 =	vadd.s32 $0x6, v21;
	v7 =	vbroadcast v15, $0x0;
	v18 =	vmul.f32 v19, v4;
	v15 =	vld [tilespmem:s12+$0xB0];
	[tilespmem:s12+$0x40] =	vst v22  }
.LBB2_12:
0x166: {  	p1 =	slt.u32 s13, $0xF8;
	v16 =	vbroadcast v16, $0x0;
	v19 =	vmov s14;
	[tilespmem:s8+$0x50] =	vst v17;
	v4 =	vmul.f32 v8, v4;
	v8 =	vld [tilespmem:s8+$0xC0]  }
0x167: {  	v12 =	vbroadcast v12, $0x0;
	v17 =	vshrl.u32 v19, $0x3;
	[tilespmem:s8+$0x60] =	vst v18;
	v9 =	vmul.f32 v9, v3;
	v18 =	vld [tilespmem:s8+$0xD0]  }
0x168: {  	v13 =	vbroadcast v13, $0x0;
	v17 =	vshll.u32 v17, v1;
	[tilespmem:s8+$0x70] =	vst v4;
	v4 =	vmul.f32 v10, v3;
	v10 =	vld [tilespmem:s8+$0xE0]  }
0x169: {  	v14 =	vbroadcast v14, $0x0;
	v5 =	vld.idx.msk [tilespmem:v5+s30+$0x0], $0xffff;
	v17 =	vadd.s32 $0x7, v17;
	[tilespmem:s8+$0x80] =	vst v9;
	v9 =	vmul.f32 v11, v3  }
0x16a: {  	v11 =	vld.idx.msk [tilespmem:v6+s30+$0x0], $0xffff;
	v17 =	vbroadcast v17, $0x0;
	[tilespmem:s8+$0x90] =	vst v4;
	v3 =	vmul.f32 v15, v3  }
0x16b: {  	v7 =	vld.idx.msk [tilespmem:v7+s30+$0x0], $0xffff;
	[tilespmem:s8+$0xA0] =	vst v9;
	v4 =	vmul.f32 v8, v2  }
0x16c: {  	v8 =	vld.idx.msk [tilespmem:v16+s30+$0x0], $0xffff;
	[tilespmem:s8+$0xB0] =	vst v3;
	v3 =	vmul.f32 v18, v2  }
0x16d: {  	v6 =	vld.idx.msk [tilespmem:v12+s30+$0x0], $0xffff;
	[tilespmem:s8+$0xC0] =	vst v4;
	v2 =	vmul.f32 v10, v2  }
0x16e: {  	v4 =	vld.idx.msk [tilespmem:v13+s30+$0x0], $0xffff;
	[tilespmem:s8+$0xD0] =	vst v3  }
0x16f: {  	v3 =	vld.idx.msk [tilespmem:v14+s30+$0x0], $0xffff;
	[tilespmem:s8+$0xE0] =	vst v2  }
0x170: {  	s8 =	sadd.s32 $0x200, s8;
	v2 =	vld.idx.msk [tilespmem:v17+s30+$0x0], $0xffff  }
0x171: {  	v9 =	vld [tilespmem:s8+$0xF0]  }
0x172: {  	v10 =	vld [tilespmem:s8+$0xFFFFFF00]  }
0x173: {  	v12 =	vld [tilespmem:s8+$0xFFFFFF10]  }
0x174: {  	v13 =	vld [tilespmem:s8+$0xFFFFFF20]  }
0x175: {  	v14 =	vld [tilespmem:s8+$0xFFFFFF30]  }
0x176: {  	v15 =	vld [tilespmem:s8+$0xFFFFFF40];
	v9 =	vmul.f32 v9, v2  }
0x177: {  	v10 =	vmul.f32 v10, v5;
	v16 =	vld [tilespmem:s8+$0xFFFFFF50]  }
0x178: {  	v12 =	vmul.f32 v12, v5;
	v17 =	vld [tilespmem:s8+$0xFFFFFF60];
	[tilespmem:s8+$0xF0] =	vst v9  }
0x179: {  	[tilespmem:s8+$0xFFFFFF00] =	vst v10;
	v9 =	vmul.f32 v13, v5;
	v10 =	vld [tilespmem:s8+$0xFFFFFF70]  }
0x17a: {  	[tilespmem:s8+$0xFFFFFF10] =	vst v12;
	v5 =	vmul.f32 v14, v5;
	v12 =	vld [tilespmem:s8+$0xFFFFFF80]  }
0x17b: {  	[tilespmem:s8+$0xFFFFFF20] =	vst v9;
	v9 =	vmul.f32 v15, v11;
	v13 =	vld [tilespmem:s8+$0xFFFFFF90]  }
0x17c: {  	[tilespmem:s8+$0xFFFFFF30] =	vst v5;
	v5 =	vmul.f32 v16, v11;
	v14 =	vld [tilespmem:s8+$0xFFFFFFA0]  }
0x17d: {  	[tilespmem:s8+$0xFFFFFF40] =	vst v9;
	v9 =	vmul.f32 v17, v11;
	v15 =	vld [tilespmem:s8+$0xFFFFFFB0]  }
0x17e: {  	v16 =	vmov s13;
	[tilespmem:s8+$0xFFFFFF50] =	vst v5;
	v5 =	vmul.f32 v10, v11;
	v10 =	vld [tilespmem:s8+$0xFFFFFFC0]  }
0x17f: {  	s14 =	sadd.s32 $0x1, s13;
	s15 =	sadd.s32 $0x2, s13;
	v11 =	vshrl.u32 v16, $0x3;
	[tilespmem:s8+$0xFFFFFF60] =	vst v9;
	v9 =	vmul.f32 v12, v7;
	v12 =	vld [tilespmem:s8+$0xFFFFFFD0]  }
0x180: {  	v17 =	vmov s15;
	s15 =	sadd.s32 $0x4, s13;
	v16 =	vmov s14;
	s14 =	sadd.s32 $0x3, s13;
	[tilespmem:s8+$0xFFFFFF70] =	vst v5;
	v5 =	vmul.f32 v13, v7;
	v13 =	vld [tilespmem:s8+$0xFFFFFFE0]  }
0x181: {  	v19 =	vmov s15;
	s15 =	sadd.s32 $0x6, s13;
	v18 =	vmov s14;
	s14 =	sadd.s32 $0x5, s13;
	[tilespmem:s8+$0xFFFFFF80] =	vst v9;
	v9 =	vmul.f32 v14, v7;
	v14 =	vld [tilespmem:s8+$0xFFFFFFF0]  }
0x182: {  	v21 =	vmov s15;
	v20 =	vmov s14;
	[tilespmem:s8+$0xFFFFFF90] =	vst v5;
	v5 =	vmul.f32 v15, v7;
	v7 =	vld [tilespmem:s8+$0x0]  }
0x183: {  	v11 =	vshll.u32 v11, v1;
	v15 =	vshrl.u32 v16, $0x3;
	[tilespmem:s8+$0xFFFFFFA0] =	vst v9;
	v9 =	vmul.f32 v10, v8;
	v10 =	vld [tilespmem:s8+$0x10]  }
0x184: {  	v16 =	vshrl.u32 v17, $0x3;
	v17 =	vshrl.u32 v18, $0x3;
	[tilespmem:s8+$0xFFFFFFB0] =	vst v5;
	v12 =	vmul.f32 v12, v8;
	v18 =	vld [tilespmem:s8+$0x20]  }
0x185: {  	v19 =	vshrl.u32 v19, $0x3;
	v20 =	vshrl.u32 v20, $0x3;
	[tilespmem:s8+$0xFFFFFFC0] =	vst v9;
	v9 =	vmul.f32 v13, v8;
	v13 =	vld [tilespmem:s8+$0x30]  }
0x186: {  	v5 =	vbroadcast v11, $0x0;
	v11 =	vshrl.u32 v21, $0x3;
	[tilespmem:s8+$0xFFFFFFD0] =	vst v12;
	v8 =	vmul.f32 v14, v8;
	v14 =	vld [tilespmem:s8+$0x40]  }
0x187: {  	v12 =	vshll.u32 v15, v1;
	v15 =	vshll.u32 v16, v1;
	[tilespmem:s8+$0xFFFFFFE0] =	vst v9;
	v7 =	vmul.f32 v7, v6;
	v21 =	vld [tilespmem:s8+$0x50]  }
0x188: {  	v16 =	vshll.u32 v17, v1;
	v17 =	vshll.u32 v19, v1;
	[tilespmem:s8+$0xFFFFFFF0] =	vst v8;
	v9 =	vmul.f32 v10, v6;
	v19 =	vld [tilespmem:s8+$0x60]  }
.Ltmp7:
0x189: {  	v20 =	vshll.u32 v20, v1;
	v22 =	vshll.u32 v11, v1;
	[tilespmem:s8+$0x0] =	vst v7;
	v7 =	vmul.f32 v18, v6;
	v8 =	vld [tilespmem:s8+$0x70];
	(pc) =	sbr.rel @p1 .LBB2_12-.Ltmp7, $4  }
0x18a: {  	v11 =	vadd.s32 $0x1, v12;
	v15 =	vadd.s32 $0x2, v15;
	[tilespmem:s8+$0x10] =	vst v9;
	v18 =	vmul.f32 v13, v6;
	v9 =	vld [tilespmem:s8+$0x80]  }
0x18b: {  	v16 =	vadd.s32 $0x3, v16;
	v12 =	vadd.s32 $0x4, v17;
	[tilespmem:s8+$0x20] =	vst v7;
	v23 =	vmul.f32 v14, v4;
	v10 =	vld [tilespmem:s8+$0x90]  }
0x18c: {  	v6 =	vbroadcast v11, $0x0;
	v13 =	vadd.s32 $0x5, v20;
	[tilespmem:s8+$0x30] =	vst v18;
	v17 =	vmul.f32 v21, v4;
	v11 =	vld [tilespmem:s8+$0xA0]  }
0x18d: {  	s14 =	sadd.s32 $0x7, s13;
	s13 =	sadd.s32 $0x8, s13;
	v7 =	vbroadcast v15, $0x0;
	v14 =	vadd.s32 $0x6, v22;
	[tilespmem:s8+$0x40] =	vst v23;
	v18 =	vmul.f32 v19, v4;
	v15 =	vld [tilespmem:s8+$0xB0]  }
.LBB2_13:
0x18e: {  	_ = 	snop  }
0x18f: {  	v20 =	vld @p0 [tilespmem:s8+$0xC0]  }
0x190: {  	v21 =	vld @p0 [tilespmem:s8+$0xD0]  }
0x191: {  	v19 =	vmov s14;
	v22 =	vld @p0 [tilespmem:s8+$0xE0]  }
0x192: {  	v5 =	vld.idx.msk [tilespmem:v5+s30+$0x0], $0xffff;
	v19 =	vshrl.u32 v19, $0x3  }
0x193: {  	v6 =	vld.idx.msk [tilespmem:v6+s30+$0x0], $0xffff;
	s13 =	sadd.s32 @p0 $0x200, s8;
	v19 =	vshll.u32 v19, v1  }
0x194: {  	v7 =	vld.idx.msk [tilespmem:v7+s30+$0x0], $0xffff;
	s12 =	smov.u32 @p0 s13;
	v19 =	vadd.s32 $0x7, v19  }
0x195: {  	v56 =	vld [tilespmem:s12+$0xFFFFFF10];
	v19 =	vbroadcast v19, $0x0  }
0x196: {  	v16 =	vbroadcast v16, $0x0;
	v4 =	vmul.f32 @p0 v8, v4;
	v57 =	vld [tilespmem:s12+$0xFFFFFF20]  }
0x197: {  	v12 =	vbroadcast v12, $0x0;
	[tilespmem:s8+$0x50] =	vst @p0 v17;
	v9 =	vmul.f32 @p0 v9, v3;
	v58 =	vld [tilespmem:s12+$0xFFFFFF60]  }
0x198: {  	[tilespmem:s8+$0x70] =	vst @p0 v4;
	v4 =	vmul.f32 @p0 v10, v3;
	v59 =	vld [tilespmem:s12+$0xFFFFFFB0]  }
0x199: {  	[tilespmem:s8+$0x80] =	vst @p0 v9;
	v9 =	vmul.f32 @p0 v11, v3;
	v11 =	vld [tilespmem:s12+$0xF0]  }
0x19a: {  	[tilespmem:s8+$0x90] =	vst @p0 v4;
	v3 =	vmul.f32 @p0 v15, v3;
	v4 =	vld [tilespmem:s12+$0xFFFFFF00]  }
0x19b: {  	v14 =	vbroadcast v14, $0x0;
	[tilespmem:s8+$0xA0] =	vst @p0 v9;
	v9 =	vmul.f32 @p0 v20, v2;
	v10 =	vld.idx.msk [tilespmem:v19+s30+$0x0], $0xffff  }
0x19c: {  	v16 =	vld.idx.msk [tilespmem:v16+s30+$0x0], $0xffff;
	[tilespmem:s8+$0xB0] =	vst @p0 v3;
	v3 =	vmul.f32 @p0 v21, v2  }
0x19d: {  	v12 =	vld.idx.msk [tilespmem:v12+s30+$0x0], $0xffff;
	v2 =	vmul.f32 @p0 v22, v2;
	[tilespmem:s8+$0xC0] =	vst @p0 v9  }
0x19e: {  	v9 =	vld [tilespmem:s12+$0xFFFFFF30];
	[tilespmem:s8+$0xD0] =	vst @p0 v3  }
0x19f: {  	v3 =	vld [tilespmem:s12+$0xFFFFFF40];
	[tilespmem:s8+$0xE0] =	vst @p0 v2;
	v2 =	vmul.f32 v4, v5  }
0x1a0: {  	v13 =	vbroadcast v13, $0x0;
	[tilespmem:s8+$0x60] =	vst @p0 v18;
	v4 =	vld [tilespmem:s12+$0xFFFFFF50];
	v11 =	vmul.f32 v11, v10  }
0x1a1: {  	v55 =	vld.idx.msk [tilespmem:v14+s30+$0x0], $0xffff;
	v14 =	vmul.f32 v56, v5;
	[tilespmem:s12+$0xFFFFFF00] =	vst v2  }
0x1a2: {  	v2 =	vmul.f32 v57, v5;
	[tilespmem:s12+$0xF0] =	vst v11;
	v11 =	vld [tilespmem:s12+$0xFFFFFF70]  }
0x1a3: {  	[tilespmem:s12+$0xFFFFFF10] =	vst v14;
	v5 =	vmul.f32 v9, v5;
	v9 =	vld [tilespmem:s12+$0xFFFFFF80]  }
0x1a4: {  	[tilespmem:s12+$0xFFFFFF20] =	vst v2;
	v2 =	vmul.f32 v3, v6;
	v3 =	vld [tilespmem:s12+$0xFFFFFF90]  }
0x1a5: {  	[tilespmem:s12+$0xFFFFFF30] =	vst v5;
	v4 =	vmul.f32 v4, v6;
	v5 =	vld [tilespmem:s12+$0xFFFFFFA0]  }
0x1a6: {  	v8 =	vld.idx.msk [tilespmem:v13+s30+$0x0], $0xffff;
	[tilespmem:s12+$0xFFFFFF40] =	vst v2;
	v2 =	vmul.f32 v58, v6  }
0x1a7: {  	[tilespmem:s12+$0xFFFFFF50] =	vst v4;
	v4 =	vmul.f32 v11, v6;
	v6 =	vld [tilespmem:s12+$0xFFFFFFC0]  }
0x1a8: {  	[tilespmem:s12+$0xFFFFFF60] =	vst v2;
	v2 =	vmul.f32 v9, v7;
	v9 =	vld [tilespmem:s12+$0xFFFFFFD0]  }
0x1a9: {  	v3 =	vmul.f32 v3, v7;
	[tilespmem:s12+$0xFFFFFF70] =	vst v4;
	v4 =	vld [tilespmem:s12+$0xFFFFFFE0]  }
0x1aa: {  	[tilespmem:s12+$0xFFFFFF80] =	vst v2;
	v2 =	vmul.f32 v5, v7;
	v5 =	vld [tilespmem:s12+$0xFFFFFFF0]  }
0x1ab: {  	[tilespmem:s12+$0xFFFFFF90] =	vst v3;
	v3 =	vmul.f32 v59, v7;
	v7 =	vld [tilespmem:s12+$0x0]  }
0x1ac: {  	[tilespmem:s12+$0xFFFFFFA0] =	vst v2;
	v2 =	vmul.f32 v6, v16;
	v6 =	vld [tilespmem:s12+$0x10]  }
0x1ad: {  	[tilespmem:s12+$0xFFFFFFB0] =	vst v3;
	v3 =	vmul.f32 v9, v16;
	v9 =	vld [tilespmem:s12+$0x20]  }
0x1ae: {  	[tilespmem:s12+$0xFFFFFFC0] =	vst v2;
	v2 =	vmul.f32 v4, v16;
	v4 =	vld [tilespmem:s12+$0x30]  }
0x1af: {  	[tilespmem:s12+$0xFFFFFFD0] =	vst v3;
	v3 =	vmul.f32 v5, v16;
	v5 =	vld [tilespmem:s12+$0x40]  }
0x1b0: {  	[tilespmem:s12+$0xFFFFFFE0] =	vst v2;
	v2 =	vmul.f32 v7, v12;
	v7 =	vld [tilespmem:s12+$0x50]  }
0x1b1: {  	[tilespmem:s12+$0xFFFFFFF0] =	vst v3;
	v3 =	vmul.f32 v6, v12;
	v6 =	vld [tilespmem:s12+$0x60]  }
0x1b2: {  	[tilespmem:s12+$0x0] =	vst v2;
	v2 =	vmul.f32 v9, v12;
	v9 =	vld [tilespmem:s12+$0x70]  }
0x1b3: {  	[tilespmem:s12+$0x10] =	vst v3;
	v3 =	vmul.f32 v4, v12;
	v4 =	vld [tilespmem:s12+$0x80]  }
0x1b4: {  	[tilespmem:s12+$0x20] =	vst v2;
	v2 =	vmul.f32 v5, v8;
	v5 =	vld [tilespmem:s12+$0x90]  }
0x1b5: {  	[tilespmem:s12+$0x30] =	vst v3;
	v3 =	vmul.f32 v7, v8;
	v7 =	vld [tilespmem:s12+$0xA0]  }
0x1b6: {  	[tilespmem:s12+$0x40] =	vst v2;
	v2 =	vmul.f32 v6, v8;
	v6 =	vld [tilespmem:s12+$0xB0]  }
0x1b7: {  	[tilespmem:s12+$0x50] =	vst v3;
	v3 =	vmul.f32 v9, v8;
	v8 =	vld [tilespmem:s12+$0xC0]  }
0x1b8: {  	[tilespmem:s12+$0x60] =	vst v2;
	v2 =	vmul.f32 v4, v55;
	v4 =	vld [tilespmem:s12+$0xD0]  }
0x1b9: {  	[tilespmem:s12+$0x70] =	vst v3;
	v3 =	vmul.f32 v5, v55;
	v5 =	vld [tilespmem:s12+$0xE0]  }
0x1ba: {  	[tilespmem:s12+$0x80] =	vst v2;
	v2 =	vmul.f32 v7, v55  }
0x1bb: {  	[tilespmem:s12+$0x90] =	vst v3;
	v3 =	vmul.f32 v6, v55  }
0x1bc: {  	[tilespmem:s12+$0xA0] =	vst v2;
	v2 =	vmul.f32 v8, v10  }
0x1bd: {  	[tilespmem:s12+$0xB0] =	vst v3;
	v3 =	vmul.f32 v4, v10  }
0x1be: {  	s15 =	sshll.u32 s25, $0xB;
	[tilespmem:s12+$0xC0] =	vst v2;
	v2 =	vmul.f32 v5, v10  }
0x1bf: {  	s8 =	sshrl.u32 s15, $0x2;
	[tilespmem:s12+$0xD0] =	vst v3  }
0x1c0: {  	s16 =	sadd.s32 $0x2800, s8;
	[tilespmem:s12+$0xE0] =	vst v2  }
0x1c1: {  	[spmem:s3] =	stream.indirect.scatter.add.f32 [tilespmem:s22], [sflag:$0x3], $0x40, s16, s23, $0xb8;
	[tilespmem:$0x1C3C8] =	vst v63  }
0x1c2: {  	_ =	swait.ge [sflag:s31], $0x4000  }
0x1c3: {  	[sflag:s31] =	ssyncset.done $0x0  }
0x1c4: {  	[sflag:s31] =	ssyncadd.s32 $0xFFFFC000  }
0x1c5: {  	v2 =	vld [tilespmem:s6+$0x0]  }
0x1c6: {  	v3 =	vld [tilespmem:s6+$0xFFFFFFE0]  }
0x1c7: {  	v4 =	vld [tilespmem:s6+$0xFFFFFFD0]  }
0x1c8: {  	v5 =	vld [tilespmem:s6+$0xFFFFFFF0]  }
0x1c9: {  	s15 =	sadd.s32 $0x40, s6;
	v8 =	vld [tilespmem:s24+$0x0]  }
0x1ca: {  	v7 =	vld [tilespmem:s15+$0x0]  }
0x1cb: {  	v60 =	vld [tilespmem:s15+$0xFFFFFFE0]  }
0x1cc: {  	v61 =	vld [tilespmem:s15+$0xFFFFFFD0]  }
0x1cd: {  	v62 =	vld [tilespmem:s24+$0xFFFFFFD0]  }
0x1ce: {  	v63 =	vld [tilespmem:s24+$0xFFFFFFE0]  }
0x1cf: {  	v9 =	vld [tilespmem:s24+$0xFFFFFFF0]  }
0x1d0: {  	v6 =	vld.idx.msk [tilespmem:v2+s26+$0x0], $0xffff  }
0x1d1: {  	v11 =	vld.idx.msk [tilespmem:v3+s26+$0x0], $0xffff  }
0x1d2: {  	s13 =	sadd.s32 $0x40, s24;
	v3 =	vld.idx.msk [tilespmem:v4+s26+$0x0], $0xffff  }
0x1d3: {  	v10 =	vld [tilespmem:s13+$0x0]  }
0x1d4: {  	v4 =	vld.idx.msk [tilespmem:v5+s26+$0x0], $0xffff  }
0x1d5: {  	v2 =	vld [tilespmem:s15+$0xFFFFFFF0]  }
0x1d6: {  	v7 =	vld.idx.msk [tilespmem:v7+s26+$0x0], $0xffff;
	v6 =	vmul.f32 v8, v6  }
0x1d7: {  	s12 =	simm.s32 $0x12430;
	v5 =	vld.idx.msk [tilespmem:v60+s26+$0x0], $0xffff;
	v8 =	vmul.f32 v62, v3  }
0x1d8: {  	s14 =	simm.s32 $0x4;
	s15 =	sadd.s32 $0x40, s15;
	v3 =	vld.idx.msk [tilespmem:v61+s26+$0x0], $0xffff;
	[tilespmem:s12+$0x10] =	vst v6;
	v6 =	vmul.f32 v63, v11  }
.LBB2_14:
0x1d9: {  	v11 =	vld [tilespmem:s15+$0x0];
	s14 =	sadd.s32 $0x4, s14;
	[tilespmem:s12+$0xFFFFFFE0] =	vst v8;
	v4 =	vmul.f32 v9, v4  }
0x1da: {  	v8 =	vld [tilespmem:s15+$0xFFFFFFE0];
	p0 =	slt.u32 s14, $0xC;
	[tilespmem:s12+$0xFFFFFFF0] =	vst v6  }
0x1db: {  	v6 =	vld [tilespmem:s15+$0xFFFFFFF0];
	v7 =	vmul.f32 v10, v7;
	[tilespmem:s12+$0x0] =	vst v4  }
0x1dc: {  	s12 =	sadd.s32 $0x40, s12;
	v12 =	vld [tilespmem:s15+$0xFFFFFFD0]  }
0x1dd: {  	v13 =	vmov v5;
	v4 =	vld.idx.msk [tilespmem:v2+s26+$0x0], $0xffff;
	[tilespmem:s12+$0x10] =	vst v7  }
0x1de: {  	v14 =	vld [tilespmem:s13+$0xFFFFFFD0]  }
0x1df: {  	v15 =	vld [tilespmem:s13+$0xFFFFFFE0]  }
.Ltmp8:
0x1e0: {  	v9 =	vld [tilespmem:s13+$0xFFFFFFF0];
	v2 =	vmov v6;
	(pc) =	sbr.rel @p0 .LBB2_14-.Ltmp8, $4  }
0x1e1: {  	s13 =	sadd.s32 $0x40, s13;
	v7 =	vld.idx.msk [tilespmem:v11+s26+$0x0], $0xffff  }
0x1e2: {  	v10 =	vld [tilespmem:s13+$0x0]  }
0x1e3: {  	v5 =	vld.idx.msk [tilespmem:v8+s26+$0x0], $0xffff;
	v8 =	vmul.f32 v14, v3  }
0x1e4: {  	s15 =	sadd.s32 $0x40, s15;
	v3 =	vld.idx.msk [tilespmem:v12+s26+$0x0], $0xffff;
	v6 =	vmul.f32 v15, v13  }
0x1e5: {  	_ =	sdelay $0x3  }
0x1e6: {  	v2 =	vld.idx.msk [tilespmem:v2+s26+$0x0], $0xffff  }
0x1e7: {  	v11 =	vld [tilespmem:s13+$0xFFFFFFD0]  }
0x1e8: {  	v12 =	vld [tilespmem:s13+$0xFFFFFFE0]  }
0x1e9: {  	v13 =	vld [tilespmem:s13+$0xFFFFFFF0];
	s15 =	simm.s32 $0x1  }
0x1ea: {  	v59 =	vmov s15  }
0x1eb: {  	[tilespmem:s12+$0xFFFFFFE0] =	vst v8;
	v8 =	vshrl.u32 v59, $0x3  }
0x1ec: {  	v4 =	vmul.f32 v9, v4;
	s14 =	simm.s32 $0x0;
	v7 =	vmul.f32 v10, v7;
	v8 =	vshll.u32 v8, v1  }
0x1ed: {  	s16 =	simm.s32 $0x3;
	s15 =	simm.s32 $0x4;
	v3 =	vmul.f32 v11, v3;
	v58 =	vmul.f32 v12, v5;
	v5 =	vmov s14  }
0x1ee: {  	v2 =	vmul.f32 v13, v2;
	s14 =	simm.s32 $0x2;
	v12 =	vmov s16;
	v13 =	vmov s15;
	s15 =	simm.s32 $0x6  }
0x1ef: {  	v5 =	vshrl.u32 v5, $0x3;
	v60 =	vmov s14;
	s14 =	simm.s32 $0x5;
	v15 =	vmov s15  }
0x1f0: {  	[tilespmem:s12+$0xFFFFFFF0] =	vst v6;
	v62 =	vshrl.u32 v12, $0x3;
	v6 =	vshrl.u32 v13, $0x3;
	v14 =	vmov s14  }
0x1f1: {  	p1 =	por $0x1, $0x1;
	[tilespmem:s12+$0x0] =	vst v4;
	s16 =	sadd.s32 $0x40, s12;
	v5 =	vshll.u32 v5, v1;
	v61 =	vshrl.u32 v60, $0x3;
	v4 =	vshrl.u32 v15, $0x3  }
.Ltmp9:
0x1f2: {  	[tilespmem:s16+$0x10] =	vst v7;
	v7 =	vshll.u32 v62, v1;
	v6 =	vshll.u32 v6, v1;
	v12 =	vshrl.u32 v14, $0x3;
	(pc) =	sbr.rel @!p1 .LBB2_16-.Ltmp9, $4  }
0x1f3: {  	[tilespmem:s16+$0xFFFFFFE0] =	vst v3;
	v5 =	vbroadcast v5, $0x0;
	v10 =	vshll.u32 v61, v1;
	v3 =	vshll.u32 v4, v1  }
0x1f4: {  	v4 =	vadd.s32 $0x1, v8;
	v16 =	vadd.s32 $0x3, v7;
	v63 =	vshll.u32 v12, v1  }
0x1f5: {  	s13 =	simm.s32 $0x8;
	[tilespmem:s16+$0xFFFFFFF0] =	vst v58;
	v8 =	vadd.s32 $0x2, v10;
	v12 =	vadd.s32 $0x4, v6;
	v6 =	vbroadcast v4, $0x0  }
0x1f6: {  	p0 =	por $0x0, $0x0;
	s12 =	simm.s32 $0xB900;
	s15 =	simm.s32 $0x7;
	[tilespmem:s16+$0x0] =	vst v2;
	v14 =	vadd.s32 $0x6, v3;
	v13 =	vadd.s32 $0x5, v63;
	v7 =	vbroadcast v8, $0x0  }
0x1f7: {  	_ = 	snop  }
0x1f8: {  	v2 =	vbroadcast v16, $0x0  }
0x1f9: {  	v4 =	vbroadcast v12, $0x0  }
0x1fa: {  	v3 =	vmov s15;
	v8 =	vbroadcast v13, $0x0  }
0x1fb: {  	v5 =	vld.idx.msk [tilespmem:v5+s30+$0x0], $0xffff;
	v9 =	vbroadcast v14, $0x0;
	v3 =	vshrl.u32 v3, $0x3  }
0x1fc: {  	v6 =	vld.idx.msk [tilespmem:v6+s30+$0x0], $0xffff;
	v3 =	vshll.u32 v3, v1  }
0x1fd: {  	v13 =	vld [tilespmem:s12+$0xFFFFFF20];
	v3 =	vadd.s32 $0x7, v3  }
0x1fe: {  	v10 =	vbroadcast v3, $0x0;
	v11 =	vld.idx.msk [tilespmem:v2+s30+$0x0], $0xffff  }
0x1ff: {  	v12 =	vld.idx.msk [tilespmem:v4+s30+$0x0], $0xffff  }
0x200: {  	v4 =	vld.idx.msk [tilespmem:v8+s30+$0x0], $0xffff  }
0x201: {  	v3 =	vld.idx.msk [tilespmem:v9+s30+$0x0], $0xffff  }
0x202: {  	v8 =	vld [tilespmem:s12+$0xF0]  }
0x203: {  	v9 =	vld [tilespmem:s12+$0xFFFFFF00]  }
0x204: {  	v2 =	vld.idx.msk [tilespmem:v10+s30+$0x0], $0xffff  }
0x205: {  	v10 =	vld [tilespmem:s12+$0xFFFFFF10]  }
0x206: {  	v14 =	vld [tilespmem:s12+$0xFFFFFF30]  }
0x207: {  	v15 =	vld [tilespmem:s12+$0xFFFFFF40]  }
0x208: {  	v16 =	vld [tilespmem:s12+$0xFFFFFF50];
	v9 =	vmul.f32 v9, v5  }
0x209: {  	v17 =	vld [tilespmem:s12+$0xFFFFFF60];
	v8 =	vmul.f32 v8, v2  }
0x20a: {  	v7 =	vld.idx.msk [tilespmem:v7+s30+$0x0], $0xffff;
	[tilespmem:s12+$0xFFFFFF00] =	vst v9;
	v10 =	vmul.f32 v10, v5  }
0x20b: {  	v9 =	vld [tilespmem:s12+$0xFFFFFF70];
	[tilespmem:s12+$0xF0] =	vst v8;
	v8 =	vmul.f32 v13, v5  }
0x20c: {  	[tilespmem:s12+$0xFFFFFF10] =	vst v10;
	v5 =	vmul.f32 v14, v5;
	v10 =	vld [tilespmem:s12+$0xFFFFFF80]  }
0x20d: {  	v13 =	vld [tilespmem:s12+$0xFFFFFF90];
	[tilespmem:s12+$0xFFFFFF20] =	vst v8;
	v8 =	vmul.f32 v15, v6  }
0x20e: {  	v14 =	vld [tilespmem:s12+$0xFFFFFFA0];
	[tilespmem:s12+$0xFFFFFF30] =	vst v5;
	v5 =	vmul.f32 v16, v6  }
0x20f: {  	s15 =	simm.s32 $0xB;
	v15 =	vld [tilespmem:s12+$0xFFFFFFB0];
	[tilespmem:s12+$0xFFFFFF40] =	vst v8;
	v8 =	vmul.f32 v17, v6  }
0x210: {  	v18 =	vmov s15;
	s15 =	simm.s32 $0xD;
	[tilespmem:s12+$0xFFFFFF50] =	vst v5;
	v5 =	vmul.f32 v9, v6;
	v6 =	vld [tilespmem:s12+$0xFFFFFFC0]  }
0x211: {  	v20 =	vmov s15;
	[tilespmem:s12+$0xFFFFFF60] =	vst v8;
	v8 =	vmul.f32 v10, v7;
	v10 =	vld [tilespmem:s12+$0xFFFFFFD0]  }
0x212: {  	s16 =	simm.s32 $0x9;
	v20 =	vshrl.u32 v20, $0x3;
	v16 =	vmov s13;
	[tilespmem:s12+$0xFFFFFF70] =	vst v5;
	v5 =	vmul.f32 v13, v7;
	v13 =	vld [tilespmem:s12+$0xFFFFFFE0]  }
0x213: {  	s14 =	simm.s32 $0xA;
	v9 =	vshrl.u32 v16, $0x3;
	v16 =	vmov s16;
	s16 =	simm.s32 $0xC;
	[tilespmem:s12+$0xFFFFFF80] =	vst v8;
	v8 =	vmul.f32 v14, v7;
	v14 =	vld [tilespmem:s12+$0xFFFFFFF0]  }
0x214: {  	v17 =	vmov s14;
	v19 =	vmov s16;
	[tilespmem:s12+$0xFFFFFF90] =	vst v5;
	v5 =	vmul.f32 v15, v7;
	v7 =	vld [tilespmem:s12+$0x0]  }
0x215: {  	v9 =	vshll.u32 v9, v1;
	v15 =	vshrl.u32 v16, $0x3;
	v6 =	vmul.f32 v6, v11;
	[tilespmem:s12+$0xFFFFFFA0] =	vst v8;
	v8 =	vld [tilespmem:s12+$0x10]  }
0x216: {  	s16 =	simm.s32 $0xE;
	v16 =	vshrl.u32 v17, $0x3;
	v17 =	vshrl.u32 v18, $0x3;
	v18 =	vld [tilespmem:s12+$0x20];
	[tilespmem:s12+$0xFFFFFFB0] =	vst v5;
	v10 =	vmul.f32 v10, v11  }
0x217: {  	v21 =	vmov s16;
	v19 =	vshrl.u32 v19, $0x3;
	[tilespmem:s12+$0xFFFFFFC0] =	vst v6;
	v6 =	vmul.f32 v13, v11;
	v13 =	vld [tilespmem:s12+$0x30]  }
0x218: {  	v5 =	vbroadcast v9, $0x0;
	v9 =	vshrl.u32 v21, $0x3;
	[tilespmem:s12+$0xFFFFFFD0] =	vst v10;
	v10 =	vmul.f32 v14, v11;
	v11 =	vld [tilespmem:s12+$0x40]  }
0x219: {  	v14 =	vshll.u32 v15, v1;
	v15 =	vshll.u32 v16, v1;
	[tilespmem:s12+$0xFFFFFFE0] =	vst v6;
	v6 =	vmul.f32 v7, v12;
	v7 =	vld [tilespmem:s12+$0x50]  }
0x21a: {  	p1 =	por $0x1, $0x1;
	v16 =	vshll.u32 v17, v1;
	v17 =	vshll.u32 v19, v1;
	v19 =	vld [tilespmem:s12+$0x60];
	[tilespmem:s12+$0xFFFFFFF0] =	vst v10;
	v10 =	vmul.f32 v8, v12  }
.Ltmp10:
0x21b: {  	v20 =	vshll.u32 v20, v1;
	v21 =	vshll.u32 v9, v1;
	[tilespmem:s12+$0x0] =	vst v6;
	v6 =	vmul.f32 v18, v12;
	v8 =	vld [tilespmem:s12+$0x70];
	(pc) =	sbr.rel @!p1 .LBB2_18-.Ltmp10, $4  }
0x21c: {  	v9 =	vld [tilespmem:s12+$0x80];
	v14 =	vadd.s32 $0x1, v14;
	v15 =	vadd.s32 $0x2, v15;
	v18 =	vmul.f32 v13, v12;
	[tilespmem:s12+$0x10] =	vst v10  }
0x21d: {  	v16 =	vadd.s32 $0x3, v16;
	v12 =	vadd.s32 $0x4, v17;
	[tilespmem:s12+$0x20] =	vst v6;
	v10 =	vld [tilespmem:s12+$0x90];
	v22 =	vmul.f32 v11, v4  }
0x21e: {  	p0 =	por $0x1, $0x1;
	v13 =	vadd.s32 $0x5, v20;
	v6 =	vbroadcast v14, $0x0;
	[tilespmem:s12+$0x30] =	vst v18;
	v17 =	vmul.f32 v7, v4;
	v11 =	vld [tilespmem:s12+$0xA0]  }
0x21f: {  	s15 =	simm.s32 $0xF;
	s13 =	simm.s32 $0xB900;
	s14 =	simm.s32 $0x10;
	v14 =	vadd.s32 $0x6, v21;
	v7 =	vbroadcast v15, $0x0;
	v18 =	vmul.f32 v19, v4;
	v15 =	vld [tilespmem:s12+$0xB0];
	[tilespmem:s12+$0x40] =	vst v22  }
.LBB2_19:
0x220: {  	p1 =	slt.u32 s14, $0xF8;
	v16 =	vbroadcast v16, $0x0;
	v19 =	vmov s15;
	[tilespmem:s13+$0x50] =	vst v17;
	v4 =	vmul.f32 v8, v4;
	v8 =	vld [tilespmem:s13+$0xC0]  }
0x221: {  	v12 =	vbroadcast v12, $0x0;
	v17 =	vshrl.u32 v19, $0x3;
	[tilespmem:s13+$0x60] =	vst v18;
	v9 =	vmul.f32 v9, v3;
	v18 =	vld [tilespmem:s13+$0xD0]  }
0x222: {  	v13 =	vbroadcast v13, $0x0;
	v17 =	vshll.u32 v17, v1;
	[tilespmem:s13+$0x70] =	vst v4;
	v4 =	vmul.f32 v10, v3;
	v10 =	vld [tilespmem:s13+$0xE0]  }
0x223: {  	v14 =	vbroadcast v14, $0x0;
	v5 =	vld.idx.msk [tilespmem:v5+s30+$0x0], $0xffff;
	v17 =	vadd.s32 $0x7, v17;
	[tilespmem:s13+$0x80] =	vst v9;
	v9 =	vmul.f32 v11, v3  }
0x224: {  	v11 =	vld.idx.msk [tilespmem:v6+s30+$0x0], $0xffff;
	v17 =	vbroadcast v17, $0x0;
	[tilespmem:s13+$0x90] =	vst v4;
	v3 =	vmul.f32 v15, v3  }
0x225: {  	v7 =	vld.idx.msk [tilespmem:v7+s30+$0x0], $0xffff;
	[tilespmem:s13+$0xA0] =	vst v9;
	v4 =	vmul.f32 v8, v2  }
0x226: {  	v8 =	vld.idx.msk [tilespmem:v16+s30+$0x0], $0xffff;
	[tilespmem:s13+$0xB0] =	vst v3;
	v3 =	vmul.f32 v18, v2  }
0x227: {  	v6 =	vld.idx.msk [tilespmem:v12+s30+$0x0], $0xffff;
	[tilespmem:s13+$0xC0] =	vst v4;
	v2 =	vmul.f32 v10, v2  }
0x228: {  	v4 =	vld.idx.msk [tilespmem:v13+s30+$0x0], $0xffff;
	[tilespmem:s13+$0xD0] =	vst v3  }
0x229: {  	v3 =	vld.idx.msk [tilespmem:v14+s30+$0x0], $0xffff;
	[tilespmem:s13+$0xE0] =	vst v2  }
0x22a: {  	s13 =	sadd.s32 $0x200, s13;
	v2 =	vld.idx.msk [tilespmem:v17+s30+$0x0], $0xffff  }
0x22b: {  	v9 =	vld [tilespmem:s13+$0xF0]  }
0x22c: {  	v10 =	vld [tilespmem:s13+$0xFFFFFF00]  }
0x22d: {  	v12 =	vld [tilespmem:s13+$0xFFFFFF10]  }
0x22e: {  	v13 =	vld [tilespmem:s13+$0xFFFFFF20]  }
0x22f: {  	v14 =	vld [tilespmem:s13+$0xFFFFFF30]  }
0x230: {  	v15 =	vld [tilespmem:s13+$0xFFFFFF40];
	v9 =	vmul.f32 v9, v2  }
0x231: {  	v10 =	vmul.f32 v10, v5;
	v16 =	vld [tilespmem:s13+$0xFFFFFF50]  }
0x232: {  	v12 =	vmul.f32 v12, v5;
	v17 =	vld [tilespmem:s13+$0xFFFFFF60];
	[tilespmem:s13+$0xF0] =	vst v9  }
0x233: {  	[tilespmem:s13+$0xFFFFFF00] =	vst v10;
	v9 =	vmul.f32 v13, v5;
	v10 =	vld [tilespmem:s13+$0xFFFFFF70]  }
0x234: {  	[tilespmem:s13+$0xFFFFFF10] =	vst v12;
	v5 =	vmul.f32 v14, v5;
	v12 =	vld [tilespmem:s13+$0xFFFFFF80]  }
0x235: {  	[tilespmem:s13+$0xFFFFFF20] =	vst v9;
	v9 =	vmul.f32 v15, v11;
	v13 =	vld [tilespmem:s13+$0xFFFFFF90]  }
0x236: {  	[tilespmem:s13+$0xFFFFFF30] =	vst v5;
	v5 =	vmul.f32 v16, v11;
	v14 =	vld [tilespmem:s13+$0xFFFFFFA0]  }
0x237: {  	[tilespmem:s13+$0xFFFFFF40] =	vst v9;
	v9 =	vmul.f32 v17, v11;
	v15 =	vld [tilespmem:s13+$0xFFFFFFB0]  }
0x238: {  	v16 =	vmov s14;
	[tilespmem:s13+$0xFFFFFF50] =	vst v5;
	v5 =	vmul.f32 v10, v11;
	v10 =	vld [tilespmem:s13+$0xFFFFFFC0]  }
0x239: {  	s15 =	sadd.s32 $0x1, s14;
	s16 =	sadd.s32 $0x2, s14;
	v11 =	vshrl.u32 v16, $0x3;
	[tilespmem:s13+$0xFFFFFF60] =	vst v9;
	v9 =	vmul.f32 v12, v7;
	v12 =	vld [tilespmem:s13+$0xFFFFFFD0]  }
0x23a: {  	v17 =	vmov s16;
	s16 =	sadd.s32 $0x4, s14;
	v16 =	vmov s15;
	s15 =	sadd.s32 $0x3, s14;
	[tilespmem:s13+$0xFFFFFF70] =	vst v5;
	v5 =	vmul.f32 v13, v7;
	v13 =	vld [tilespmem:s13+$0xFFFFFFE0]  }
0x23b: {  	v19 =	vmov s16;
	s16 =	sadd.s32 $0x6, s14;
	v18 =	vmov s15;
	s15 =	sadd.s32 $0x5, s14;
	[tilespmem:s13+$0xFFFFFF80] =	vst v9;
	v9 =	vmul.f32 v14, v7;
	v14 =	vld [tilespmem:s13+$0xFFFFFFF0]  }
0x23c: {  	v21 =	vmov s16;
	v20 =	vmov s15;
	[tilespmem:s13+$0xFFFFFF90] =	vst v5;
	v5 =	vmul.f32 v15, v7;
	v7 =	vld [tilespmem:s13+$0x0]  }
0x23d: {  	v11 =	vshll.u32 v11, v1;
	v15 =	vshrl.u32 v16, $0x3;
	[tilespmem:s13+$0xFFFFFFA0] =	vst v9;
	v9 =	vmul.f32 v10, v8;
	v10 =	vld [tilespmem:s13+$0x10]  }
0x23e: {  	v16 =	vshrl.u32 v17, $0x3;
	v17 =	vshrl.u32 v18, $0x3;
	[tilespmem:s13+$0xFFFFFFB0] =	vst v5;
	v12 =	vmul.f32 v12, v8;
	v18 =	vld [tilespmem:s13+$0x20]  }
0x23f: {  	v19 =	vshrl.u32 v19, $0x3;
	v20 =	vshrl.u32 v20, $0x3;
	[tilespmem:s13+$0xFFFFFFC0] =	vst v9;
	v9 =	vmul.f32 v13, v8;
	v13 =	vld [tilespmem:s13+$0x30]  }
0x240: {  	v5 =	vbroadcast v11, $0x0;
	v11 =	vshrl.u32 v21, $0x3;
	[tilespmem:s13+$0xFFFFFFD0] =	vst v12;
	v8 =	vmul.f32 v14, v8;
	v14 =	vld [tilespmem:s13+$0x40]  }
0x241: {  	v12 =	vshll.u32 v15, v1;
	v15 =	vshll.u32 v16, v1;
	[tilespmem:s13+$0xFFFFFFE0] =	vst v9;
	v7 =	vmul.f32 v7, v6;
	v21 =	vld [tilespmem:s13+$0x50]  }
0x242: {  	v16 =	vshll.u32 v17, v1;
	v17 =	vshll.u32 v19, v1;
	[tilespmem:s13+$0xFFFFFFF0] =	vst v8;
	v9 =	vmul.f32 v10, v6;
	v19 =	vld [tilespmem:s13+$0x60]  }
.Ltmp11:
0x243: {  	v20 =	vshll.u32 v20, v1;
	v22 =	vshll.u32 v11, v1;
	[tilespmem:s13+$0x0] =	vst v7;
	v7 =	vmul.f32 v18, v6;
	v8 =	vld [tilespmem:s13+$0x70];
	(pc) =	sbr.rel @p1 .LBB2_19-.Ltmp11, $4  }
0x244: {  	v11 =	vadd.s32 $0x1, v12;
	v15 =	vadd.s32 $0x2, v15;
	[tilespmem:s13+$0x10] =	vst v9;
	v18 =	vmul.f32 v13, v6;
	v9 =	vld [tilespmem:s13+$0x80]  }
0x245: {  	v16 =	vadd.s32 $0x3, v16;
	v12 =	vadd.s32 $0x4, v17;
	[tilespmem:s13+$0x20] =	vst v7;
	v23 =	vmul.f32 v14, v4;
	v10 =	vld [tilespmem:s13+$0x90]  }
0x246: {  	v6 =	vbroadcast v11, $0x0;
	v13 =	vadd.s32 $0x5, v20;
	[tilespmem:s13+$0x30] =	vst v18;
	v17 =	vmul.f32 v21, v4;
	v11 =	vld [tilespmem:s13+$0xA0]  }
0x247: {  	s15 =	sadd.s32 $0x7, s14;
	s14 =	sadd.s32 $0x8, s14;
	v7 =	vbroadcast v15, $0x0;
	v14 =	vadd.s32 $0x6, v22;
	[tilespmem:s13+$0x40] =	vst v23;
	v18 =	vmul.f32 v19, v4;
	v15 =	vld [tilespmem:s13+$0xB0]  }
.LBB2_20:
0x248: {  	_ = 	snop  }
0x249: {  	v20 =	vld @p0 [tilespmem:s13+$0xC0]  }
0x24a: {  	v21 =	vld @p0 [tilespmem:s13+$0xD0]  }
0x24b: {  	v22 =	vld @p0 [tilespmem:s13+$0xE0]  }
0x24c: {  	v5 =	vld.idx.msk [tilespmem:v5+s30+$0x0], $0xffff  }
0x24d: {  	v6 =	vld.idx.msk [tilespmem:v6+s30+$0x0], $0xffff;
	s14 =	sadd.s32 @p0 $0x200, s13  }
0x24e: {  	v7 =	vld.idx.msk [tilespmem:v7+s30+$0x0], $0xffff;
	s12 =	smov.u32 @p0 s14  }
0x24f: {  	v33 =	vld [tilespmem:s12+$0xF0]  }
0x250: {  	v34 =	vld [tilespmem:s12+$0xFFFFFF00]  }
0x251: {  	[tilespmem:s13+$0x50] =	vst @p0 v17;
	v4 =	vmul.f32 @p0 v8, v4;
	v35 =	vld [tilespmem:s12+$0xFFFFFF10]  }
0x252: {  	v19 =	vmov s15;
	v14 =	vbroadcast v14, $0x0;
	[tilespmem:s13+$0x60] =	vst @p0 v18;
	v9 =	vmul.f32 @p0 v9, v3;
	v36 =	vld [tilespmem:s12+$0xFFFFFF20]  }
0x253: {  	v19 =	vshrl.u32 v19, $0x3;
	[tilespmem:s13+$0x70] =	vst @p0 v4;
	v4 =	vmul.f32 @p0 v10, v3;
	v37 =	vld [tilespmem:s12+$0xFFFFFF30]  }
0x254: {  	v19 =	vshll.u32 v19, v1;
	v38 =	vld [tilespmem:s12+$0xFFFFFF50];
	[tilespmem:s13+$0x80] =	vst @p0 v9;
	v9 =	vmul.f32 @p0 v11, v3  }
0x255: {  	v39 =	vld [tilespmem:s12+$0xFFFFFF60];
	v19 =	vadd.s32 $0x7, v19;
	[tilespmem:s13+$0x90] =	vst @p0 v4;
	v3 =	vmul.f32 @p0 v15, v3  }
0x256: {  	v40 =	vld [tilespmem:s12+$0xFFFFFF70];
	v19 =	vbroadcast v19, $0x0;
	[tilespmem:s13+$0xA0] =	vst @p0 v9;
	v9 =	vmul.f32 @p0 v20, v2  }
0x257: {  	v41 =	vld [tilespmem:s12+$0xFFFFFF80];
	[tilespmem:s13+$0xB0] =	vst @p0 v3;
	v3 =	vmul.f32 @p0 v21, v2  }
0x258: {  	v31 =	vld.idx.msk [tilespmem:v14+s30+$0x0], $0xffff;
	v2 =	vmul.f32 @p0 v22, v2;
	[tilespmem:s13+$0xC0] =	vst @p0 v9  }
0x259: {  	v14 =	vmul.f32 v35, v5;
	[tilespmem:s13+$0xD0] =	vst @p0 v3;
	v3 =	vld [tilespmem:s12+$0xFFFFFF40]  }
0x25a: {  	v42 =	vld [tilespmem:s12+$0xFFFFFFA0];
	[tilespmem:s13+$0xE0] =	vst @p0 v2;
	v2 =	vmul.f32 v34, v5  }
0x25b: {  	v16 =	vbroadcast v16, $0x0;
	v43 =	vld [tilespmem:s12+$0xFFFFFFB0];
	v4 =	vmul.f32 v38, v6;
	[tilespmem:s12+$0xFFFFFF10] =	vst v14  }
0x25c: {  	v32 =	vld.idx.msk [tilespmem:v19+s30+$0x0], $0xffff;
	[tilespmem:s12+$0xFFFFFF00] =	vst v2;
	v2 =	vmul.f32 v36, v5  }
0x25d: {  	v45 =	vld [tilespmem:s12+$0xFFFFFFC0];
	v44 =	vmul.f32 v40, v6;
	[tilespmem:s12+$0xFFFFFF50] =	vst v4  }
0x25e: {  	[tilespmem:s12+$0xFFFFFF20] =	vst v2;
	v2 =	vmul.f32 v3, v6;
	v3 =	vld [tilespmem:s12+$0xFFFFFF90]  }
0x25f: {  	v12 =	vbroadcast v12, $0x0;
	v46 =	vld [tilespmem:s12+$0xFFFFFFD0];
	[tilespmem:s12+$0xFFFFFF70] =	vst v44;
	v5 =	vmul.f32 v37, v5  }
0x260: {  	v47 =	vld [tilespmem:s12+$0xFFFFFFE0];
	[tilespmem:s12+$0xFFFFFF40] =	vst v2;
	v2 =	vmul.f32 v39, v6  }
0x261: {  	v16 =	vld.idx.msk [tilespmem:v16+s30+$0x0], $0xffff;
	[tilespmem:s12+$0xFFFFFF30] =	vst v5;
	v11 =	vmul.f32 v33, v32  }
0x262: {  	v48 =	vld [tilespmem:s12+$0xFFFFFFF0];
	[tilespmem:s12+$0xFFFFFF60] =	vst v2;
	v2 =	vmul.f32 v41, v7  }
0x263: {  	v13 =	vbroadcast v13, $0x0;
	v49 =	vld [tilespmem:s12+$0x0];
	[tilespmem:s12+$0xF0] =	vst v11;
	v3 =	vmul.f32 v3, v7  }
0x264: {  	v50 =	vld [tilespmem:s12+$0x10];
	[tilespmem:s12+$0xFFFFFF80] =	vst v2;
	v2 =	vmul.f32 v42, v7  }
0x265: {  	v12 =	vld.idx.msk [tilespmem:v12+s30+$0x0], $0xffff;
	[tilespmem:s12+$0xFFFFFF90] =	vst v3;
	v3 =	vmul.f32 v43, v7  }
0x266: {  	v51 =	vld [tilespmem:s12+$0x20];
	[tilespmem:s12+$0xFFFFFFA0] =	vst v2;
	v2 =	vmul.f32 v45, v16  }
0x267: {  	v52 =	vld [tilespmem:s12+$0x30];
	[tilespmem:s12+$0xFFFFFFB0] =	vst v3;
	v3 =	vmul.f32 v46, v16  }
0x268: {  	v53 =	vld [tilespmem:s12+$0x40];
	[tilespmem:s12+$0xFFFFFFC0] =	vst v2;
	v2 =	vmul.f32 v47, v16  }
0x269: {  	v30 =	vld.idx.msk [tilespmem:v13+s30+$0x0], $0xffff;
	[tilespmem:s12+$0xFFFFFFD0] =	vst v3;
	v3 =	vmul.f32 v48, v16  }
0x26a: {  	v54 =	vld [tilespmem:s12+$0x50];
	[tilespmem:s12+$0xFFFFFFE0] =	vst v2;
	v2 =	vmul.f32 v49, v12  }
0x26b: {  	v55 =	vld [tilespmem:s12+$0x60];
	[tilespmem:s12+$0xFFFFFFF0] =	vst v3;
	v3 =	vmul.f32 v50, v12  }
0x26c: {  	v56 =	vld [tilespmem:s12+$0x70];
	[tilespmem:s12+$0x0] =	vst v2;
	v2 =	vmul.f32 v51, v12  }
0x26d: {  	v57 =	vld [tilespmem:s12+$0x80];
	[tilespmem:s12+$0x10] =	vst v3;
	v3 =	vmul.f32 v52, v12  }
0x26e: {  	v58 =	vld [tilespmem:s12+$0x90];
	[tilespmem:s12+$0x20] =	vst v2;
	v2 =	vmul.f32 v53, v30  }
0x26f: {  	v59 =	vld [tilespmem:s12+$0xA0];
	[tilespmem:s12+$0x30] =	vst v3;
	v3 =	vmul.f32 v54, v30  }
0x270: {  	v60 =	vld [tilespmem:s12+$0xB0];
	[tilespmem:s12+$0x40] =	vst v2;
	v2 =	vmul.f32 v55, v30  }
0x271: {  	v61 =	vld [tilespmem:s12+$0xC0];
	[tilespmem:s12+$0x50] =	vst v3;
	v3 =	vmul.f32 v56, v30  }
0x272: {  	v62 =	vld [tilespmem:s12+$0xD0];
	[tilespmem:s12+$0x60] =	vst v2;
	v2 =	vmul.f32 v57, v31  }
0x273: {  	v63 =	vld [tilespmem:s12+$0xE0];
	[tilespmem:s12+$0x70] =	vst v3;
	v3 =	vmul.f32 v58, v31  }
0x274: {  	[tilespmem:s12+$0x80] =	vst v2;
	v2 =	vmul.f32 v59, v31  }
0x275: {  	[tilespmem:s12+$0x90] =	vst v3;
	v3 =	vmul.f32 v60, v31  }
0x276: {  	[tilespmem:s12+$0xA0] =	vst v2;
	v2 =	vmul.f32 v61, v32  }
0x277: {  	[tilespmem:s12+$0xB0] =	vst v3;
	v3 =	vmul.f32 v62, v32  }
0x278: {  	[tilespmem:s12+$0xC0] =	vst v2;
	v2 =	vmul.f32 v63, v32  }
0x279: {  	p0 =	seq.s32 s25, $0x13;
	[tilespmem:s12+$0xD0] =	vst v3  }
.Ltmp12:
0x27a: {  	s7 =	sadd.s32 $0x2800, s7;
	[tilespmem:s12+$0xE0] =	vst v2;
	(pc) =	sbr.rel @p0 .LBB2_22-.Ltmp12, $4  }
0x27b: {  	[spmem:s3] =	stream.indirect.scatter.add.f32 [tilespmem:s28], [sflag:$0x4], $0x40, s7, s23, $0xb8;
	[tilespmem:$0x1C3C8] =	vst v63  }
0x27c: {  	_ =	swait.ge [sflag:s0], $0x4000  }
0x27d: {  	[sflag:s0] =	ssyncset.done $0x0  }
0x27e: {  	[sflag:s0] =	ssyncadd.s32 $0xFFFFC000  }
.Ltmp13:
0x27f: {  	(pc) =	sbr.rel .LBB2_6-.Ltmp13, $4  }
0x280: {  	_ = 	snop  }
0x281: {  	s7 =	sadd.s32 $0x200, s8;
	s25 =	sadd.s32 $0x1, s25;
	s4 =	sadd.s32 $0x200, s4  }
0x282: {  	s2 =	sadd.s32 $0x200, s2;
	s24 =	sadd.s32 $0x200, s24;
	s6 =	sadd.s32 $0x200, s6  }
0x283: {  	[tilespmem:s22], [sflag:$0x1] =	stream.indirect.gather [hbm4b:s1+s23], $0x40, s7, s23, $0xb8;
	[tilespmem:$0x1C3C8] =	vst v63  }
.LBB2_9:
.Ltmp14:
0x284: {  	(pc) =	sbr.rel .LBB2_13-.Ltmp14, $2  }
0x285: {  	_ =	sdelay $0x2  }
0x286: {  	s8 =	simm.s32 $0x7900  }
.LBB2_16:
.Ltmp15:
0x287: {  	(pc) =	sbr.rel .LBB2_20-.Ltmp15, $2  }
0x288: {  	_ =	sdelay $0x2  }
0x289: {  	s13 =	simm.s32 $0xB900  }
.LBB2_11:
.Ltmp16:
0x28a: {  	(pc) =	sbr.rel .LBB2_13-.Ltmp16, $2  }
0x28b: {  	_ =	sdelay $0x2  }
0x28c: {  	s8 =	simm.s32 $0x7900  }
.LBB2_18:
.Ltmp17:
0x28d: {  	(pc) =	sbr.rel .LBB2_20-.Ltmp17, $2  }
0x28e: {  	_ =	sdelay $0x2  }
0x28f: {  	s13 =	simm.s32 $0xB900  }
.LBB2_23:
0x290: {  	_ =	sfence.sel $0x180000  }
0x291: {  	[bflag:$0x0] =	sbarrier.arrive $0xFFFF  }
0x292: {  	_ =	strace $0x9000004A  }
0x293: {  	s0 =	stileid.u32;
	[bflag:$0x2] =	sbarrier.arrive $0xFFFF  }
0x294: {  	p0 =	sne.s32 s0, $0x0;
	s0 =	rddreg [dreg:$0x4]  }
0x295: {  	s0 =	sadd.s32 @!p0 $0x100000, s0  }
0x296: {  	[sflag:s0] =	ssyncadd.tile.s32 @!p0 $0x1;
	_ =	shalt  }
.Lfunc_end2:
_tile_overlayer_lowered:
.L_overlay_start_2:
0x297: {  	(tag) =	ssettag $0x2  }
0x298: {  	s0 =	rddreg [dreg:$0x0];
	s2 =	stileid.u32  }
0x299: {  	s1 =	rddreg [dreg:$0x1];
	p0 =	sne.s32 s2, $0x0  }
0x29a: {  	s3 =	rddreg [dreg:$0x2];
	[bflag:$0x3] =	sbarrier.arrive $0xFFFF;
	s2 =	simm.s32 @!p0 $0x1C05  }
0x29b: {  	[timem:s3], [sflag:s2] =	dma.local @!p0 [hbm:s0], s1  }
0x29c: {  	s0 =	simm.s32 @!p0 $0x5  }
0x29d: {  	_ =	swait.ge @!p0 [sflag:s0], s1  }
0x29e: {  	s1 =	ssub.s32 @!p0 $0x0, s1;
	[sflag:s0] =	ssyncset.done @!p0 $0x0  }
0x29f: {  	[sflag:s0] =	ssyncadd.s32 @!p0 s1  }
0x2a0: {  	[bflag:$0x3] =	sbarrier.arrive $0xFFFF  }
0x2a1: {  	_ =	shalt  }

</sc_bundles>
